<compile_context>
chip_gen: v7x
topology: tpu7x:2x2x1
jax: 0.10.2.dev20260603
libtpu: 0.0.44.dev20260713+nightly
codegen_flags: <defaults>
</compile_context>

<pallas_src>
import jax
import jax.numpy as jnp
from jax import lax
from jax.experimental import pallas as pl
from jax.experimental.pallas import tpu as pltpu
from jax.experimental.pallas import tpu_sc as plsc

SPEAKER_SIZE = 100000
CHANNEL = 256
BATCH = 16384

_NC = 2
_NS = 16
_NW = _NC * _NS
_CHUNK = 32
_PER_W = BATCH // _NW
_NCHUNK = _PER_W // _CHUNK
_NBUF = 15


def _gather_kernel(table_hbm, idx_hbm, out_hbm, idx_v, rows_v, *sems):
    wid = lax.axis_index("s") * _NC + lax.axis_index("c")
    base = wid * _PER_W
    gsem = sems[:_NBUF]
    wsem = sems[_NBUF:]

    pltpu.sync_copy(idx_hbm.at[pl.ds(base, _PER_W)], idx_v)

    def start_gather(c):
        b = c % _NBUF
        return pltpu.async_copy(
            table_hbm.at[idx_v.at[pl.ds(c * _CHUNK, _CHUNK)]], rows_v.at[b],
            gsem[b])

    def start_write(c):
        b = c % _NBUF
        return pltpu.async_copy(rows_v.at[b],
                                out_hbm.at[pl.ds(base + c * _CHUNK, _CHUNK)],
                                wsem[b])

    g = [start_gather(c) for c in range(min(_NBUF, _NCHUNK))]
    g += [None] * (_NCHUNK - len(g))
    w = [None] * _NCHUNK
    for c in range(_NCHUNK):
        nxt = c + _NBUF
        g[c].wait()
        w[c] = start_write(c)
        if nxt < _NCHUNK:
            w[nxt - _NBUF].wait()
            g[nxt] = start_gather(nxt)
    for c in range(max(0, _NCHUNK - _NBUF), _NCHUNK):
        if w[c] is not None:
            w[c].wait()


@jax.jit
def kernel(spk_id, table):
    run = pl.kernel(
        _gather_kernel,
        out_type=jax.ShapeDtypeStruct((BATCH, CHANNEL), jnp.float32),
        mesh=plsc.VectorSubcoreMesh(core_axis_name="c", subcore_axis_name="s"),
        scratch_types=(
            [pltpu.VMEM((_PER_W,), jnp.int32),
             pltpu.VMEM((_NBUF, _CHUNK, CHANNEL), jnp.float32)]
            + [pltpu.SemaphoreType.DMA] * (2 * _NBUF)
        ),
    )
    return run(table, spk_id)

# --- scband reference (transcript-rebuilt; emitter-appended) ---
"""Pipeline reference for scband-vits-85418309583265 (READ-ONLY COPY).

The authoritative reference and input builder live on the scoring server;
editing this copy changes nothing except your own understanding.
"""

import jax, jax.numpy as jnp
import numpy as np

SPEAKER_SIZE = 100000
CHANNEL = 256
BATCH = 16384


def setup_inputs(seed: int = 0) -> dict:
    key = jax.random.key(seed)
    k1, k2 = jax.random.split(key)
    spk_id = jax.random.randint(k1, (BATCH,), 0, SPEAKER_SIZE)
    # learned parameter: speaker embedding table (nn.Embedding weight)
    table = jax.random.normal(k2, (SPEAKER_SIZE, CHANNEL), dtype=jnp.float32) * 0.02
    return {"spk_id": spk_id, "table": table}


def reference(spk_id, table):
    # VITS wrapper only instantiates a speaker embedding lookup:
    # self.get_speaker_embedding(spk_id) -> table[spk_id]
    return jnp.take(table, spk_id, axis=0)

if __name__ == "__main__":
    import jax
    _d = setup_inputs()
    print(jax.jit(kernel)(*tuple(_d.values())))

</pallas_src>

<mosaic_0001>
#map = affine_map<(d0, d1) -> (0, 0)>
#map1 = affine_map<(d0, d1) -> (0)>
module attributes {stable_mosaic.version = 14 : i64} {
  func.func @_gather_kernel(%arg0: i32, %arg1: i32, %arg2: memref<100000x256xf32, #tpu.memory_space<hbm>>, %arg3: memref<16384xi32, #tpu.memory_space<hbm>>, %arg4: memref<16384x256xf32, #tpu.memory_space<hbm>>, %arg5: memref<512xi32, #tpu.memory_space<vmem>>, %arg6: memref<15x32x256xf32, #tpu.memory_space<vmem>>, %arg7: memref<!tpu.dma_semaphore, #tpu.memory_space<semaphore_mem>>, %arg8: memref<!tpu.dma_semaphore, #tpu.memory_space<semaphore_mem>>, %arg9: memref<!tpu.dma_semaphore, #tpu.memory_space<semaphore_mem>>, %arg10: memref<!tpu.dma_semaphore, #tpu.memory_space<semaphore_mem>>, %arg11: memref<!tpu.dma_semaphore, #tpu.memory_space<semaphore_mem>>, %arg12: memref<!tpu.dma_semaphore, #tpu.memory_space<semaphore_mem>>, %arg13: memref<!tpu.dma_semaphore, #tpu.memory_space<semaphore_mem>>, %arg14: memref<!tpu.dma_semaphore, #tpu.memory_space<semaphore_mem>>, %arg15: memref<!tpu.dma_semaphore, #tpu.memory_space<semaphore_mem>>, %arg16: memref<!tpu.dma_semaphore, #tpu.memory_space<semaphore_mem>>, %arg17: memref<!tpu.dma_semaphore, #tpu.memory_space<semaphore_mem>>, %arg18: memref<!tpu.dma_semaphore, #tpu.memory_space<semaphore_mem>>, %arg19: memref<!tpu.dma_semaphore, #tpu.memory_space<semaphore_mem>>, %arg20: memref<!tpu.dma_semaphore, #tpu.memory_space<semaphore_mem>>, %arg21: memref<!tpu.dma_semaphore, #tpu.memory_space<semaphore_mem>>, %arg22: memref<!tpu.dma_semaphore, #tpu.memory_space<semaphore_mem>>, %arg23: memref<!tpu.dma_semaphore, #tpu.memory_space<semaphore_mem>>, %arg24: memref<!tpu.dma_semaphore, #tpu.memory_space<semaphore_mem>>, %arg25: memref<!tpu.dma_semaphore, #tpu.memory_space<semaphore_mem>>, %arg26: memref<!tpu.dma_semaphore, #tpu.memory_space<semaphore_mem>>, %arg27: memref<!tpu.dma_semaphore, #tpu.memory_space<semaphore_mem>>, %arg28: memref<!tpu.dma_semaphore, #tpu.memory_space<semaphore_mem>>, %arg29: memref<!tpu.dma_semaphore, #tpu.memory_space<semaphore_mem>>, %arg30: memref<!tpu.dma_semaphore, #tpu.memory_space<semaphore_mem>>, %arg31: memref<!tpu.dma_semaphore, #tpu.memory_space<semaphore_mem>>, %arg32: memref<!tpu.dma_semaphore, #tpu.memory_space<semaphore_mem>>, %arg33: memref<!tpu.dma_semaphore, #tpu.memory_space<semaphore_mem>>, %arg34: memref<!tpu.dma_semaphore, #tpu.memory_space<semaphore_mem>>, %arg35: memref<!tpu.dma_semaphore, #tpu.memory_space<semaphore_mem>>, %arg36: memref<!tpu.dma_semaphore, #tpu.memory_space<semaphore_mem>>) attributes {dimension_semantics = [#tpu.dimension_semantics<core_parallel>, #tpu.dimension_semantics<subcore_parallel>], iteration_bounds = array<i64: 2, 16>, scalar_prefetch = 0 : i64, scratch_operands = 32 : i64, tpu.core_type = #tpu.core_type<sc_vector_subcore>, window_params = [{transform_indices = #map}, {transform_indices = #map1}, {transform_indices = #map}]} {
    %mul3A = arith.constant 2 : i32
    %mul3A_0 = arith.muli %arg1, %mul3A : i32
    %add3A = arith.addi %mul3A_0, %arg0 : i32
    %mul3A_1 = arith.constant 512 : i32
    %mul3A_2 = arith.muli %add3A, %mul3A_1 : i32
    "tpu.region"() ({
      %run_scoped3A = tpu.sem_alloc : memref<!tpu.dma_semaphore, #tpu.memory_space<semaphore_mem>>
      %dma_start3A_769 = tpu.memref_slice %arg3[%mul3A_2] : memref<16384xi32, #tpu.memory_space<hbm>> -> memref<512xi32, #tpu.memory_space<hbm>>
      %dma_start3A_770 = tpu.memref_slice %arg3[%mul3A_2] : memref<16384xi32, #tpu.memory_space<hbm>> -> memref<512xi32, #tpu.memory_space<hbm>>
      tpu.enqueue_dma source(%dma_start3A_770 : memref<512xi32, #tpu.memory_space<hbm>>) target(%arg5 : memref<512xi32, #tpu.memory_space<vmem>>) target_semaphore(%run_scoped3A : memref<!tpu.dma_semaphore, #tpu.memory_space<semaphore_mem>>)
      %dma_wait3A_771 = tpu.memref_slice %arg3[%mul3A_2] : memref<16384xi32, #tpu.memory_space<hbm>> -> memref<512xi32, #tpu.memory_space<hbm>>
      %dma_wait3A_772 = tpu.memref_slice %arg3[%mul3A_2] : memref<16384xi32, #tpu.memory_space<hbm>> -> memref<512xi32, #tpu.memory_space<hbm>>
      tpu.wait_dma2 semaphore(%run_scoped3A : memref<!tpu.dma_semaphore, #tpu.memory_space<semaphore_mem>>) src(%dma_wait3A_772 : memref<512xi32, #tpu.memory_space<hbm>>) dst(%arg5 : memref<512xi32, #tpu.memory_space<vmem>>)
      tpu.yield
    }) : () -> ()
    %dma_start3A = arith.constant 0 : i32
    %dma_start3A_3 = arith.constant 0 : i32
    %dma_start3A_4 = arith.constant 0 : i32
    %dma_start3A_5 = tpu.memref_slice %arg6[%dma_start3A, %dma_start3A_3, %dma_start3A_4] : memref<15x32x256xf32, #tpu.memory_space<vmem>> -> memref<1x32x256xf32, #tpu.memory_space<vmem>>
    %dma_start3A_6 = tpu.memref_squeeze %dma_start3A_5 : memref<1x32x256xf32, #tpu.memory_space<vmem>> -> memref<32x256xf32, #tpu.memory_space<vmem>>
    %dma_start3A_7 = arith.constant 0 : i32
    %dma_start3A_8 = tpu.memref_slice %arg5[%dma_start3A_7] : memref<512xi32, #tpu.memory_space<vmem>> -> memref<32xi32, #tpu.memory_space<vmem>>
    %dma_start3A_9 = arith.constant 0 : i32
    %dma_start3A_10 = arith.constant 0 : i32
    %dma_start3A_11 = tpu.memref_slice %arg2[%dma_start3A_9, %dma_start3A_10] : memref<100000x256xf32, #tpu.memory_space<hbm>> -> memref<100000x256xf32, #tpu.memory_space<hbm>>
    tpu.enqueue_indirect_dma source(%dma_start3A_11 : memref<100000x256xf32, #tpu.memory_space<hbm>>) target(%dma_start3A_6 : memref<32x256xf32, #tpu.memory_space<vmem>>) offsets(%dma_start3A_8 : memref<32xi32, #tpu.memory_space<vmem>>) semaphore(%arg7 : memref<!tpu.dma_semaphore, #tpu.memory_space<semaphore_mem>>)
    %dma_start3A_12 = arith.constant 1 : i32
    %dma_start3A_13 = arith.constant 0 : i32
    %dma_start3A_14 = arith.constant 0 : i32
    %dma_start3A_15 = tpu.memref_slice %arg6[%dma_start3A_12, %dma_start3A_13, %dma_start3A_14] : memref<15x32x256xf32, #tpu.memory_space<vmem>> -> memref<1x32x256xf32, #tpu.memory_space<vmem>>
    %dma_start3A_16 = tpu.memref_squeeze %dma_start3A_15 : memref<1x32x256xf32, #tpu.memory_space<vmem>> -> memref<32x256xf32, #tpu.memory_space<vmem>>
    %dma_start3A_17 = arith.constant 32 : i32
    %dma_start3A_18 = tpu.memref_slice %arg5[%dma_start3A_17] : memref<512xi32, #tpu.memory_space<vmem>> -> memref<32xi32, #tpu.memory_space<vmem>>
    %dma_start3A_19 = arith.constant 0 : i32
    %dma_start3A_20 = arith.constant 0 : i32
    %dma_start3A_21 = tpu.memref_slice %arg2[%dma_start3A_19, %dma_start3A_20] : memref<100000x256xf32, #tpu.memory_space<hbm>> -> memref<100000x256xf32, #tpu.memory_space<hbm>>
    tpu.enqueue_indirect_dma source(%dma_start3A_21 : memref<100000x256xf32, #tpu.memory_space<hbm>>) target(%dma_start3A_16 : memref<32x256xf32, #tpu.memory_space<vmem>>) offsets(%dma_start3A_18 : memref<32xi32, #tpu.memory_space<vmem>>) semaphore(%arg8 : memref<!tpu.dma_semaphore, #tpu.memory_space<semaphore_mem>>)
    %dma_start3A_22 = arith.constant 2 : i32
    %dma_start3A_23 = arith.constant 0 : i32
    %dma_start3A_24 = arith.constant 0 : i32
    %dma_start3A_25 = tpu.memref_slice %arg6[%dma_start3A_22, %dma_start3A_23, %dma_start3A_24] : memref<15x32x256xf32, #tpu.memory_space<vmem>> -> memref<1x32x256xf32, #tpu.memory_space<vmem>>
    %dma_start3A_26 = tpu.memref_squeeze %dma_start3A_25 : memref<1x32x256xf32, #tpu.memory_space<vmem>> -> memref<32x256xf32, #tpu.memory_space<vmem>>
    %dma_start3A_27 = arith.constant 64 : i32
    %dma_start3A_28 = tpu.memref_slice %arg5[%dma_start3A_27] : memref<512xi32, #tpu.memory_space<vmem>> -> memref<32xi32, #tpu.memory_space<vmem>>
    %dma_start3A_29 = arith.constant 0 : i32
    %dma_start3A_30 = arith.constant 0 : i32
    %dma_start3A_31 = tpu.memref_slice %arg2[%dma_start3A_29, %dma_start3A_30] : memref<100000x256xf32, #tpu.memory_space<hbm>> -> memref<100000x256xf32, #tpu.memory_space<hbm>>
    tpu.enqueue_indirect_dma source(%dma_start3A_31 : memref<100000x256xf32, #tpu.memory_space<hbm>>) target(%dma_start3A_26 : memref<32x256xf32, #tpu.memory_space<vmem>>) offsets(%dma_start3A_28 : memref<32xi32, #tpu.memory_space<vmem>>) semaphore(%arg9 : memref<!tpu.dma_semaphore, #tpu.memory_space<semaphore_mem>>)
    %dma_start3A_32 = arith.constant 3 : i32
    %dma_start3A_33 = arith.constant 0 : i32
    %dma_start3A_34 = arith.constant 0 : i32
    %dma_start3A_35 = tpu.memref_slice %arg6[%dma_start3A_32, %dma_start3A_33, %dma_start3A_34] : memref<15x32x256xf32, #tpu.memory_space<vmem>> -> memref<1x32x256xf32, #tpu.memory_space<vmem>>
    %dma_start3A_36 = tpu.memref_squeeze %dma_start3A_35 : memref<1x32x256xf32, #tpu.memory_space<vmem>> -> memref<32x256xf32, #tpu.memory_space<vmem>>
    %dma_start3A_37 = arith.constant 96 : i32
    %dma_start3A_38 = tpu.memref_slice %arg5[%dma_start3A_37] : memref<512xi32, #tpu.memory_space<vmem>> -> memref<32xi32, #tpu.memory_space<vmem>>
    %dma_start3A_39 = arith.constant 0 : i32
    %dma_start3A_40 = arith.constant 0 : i32
    %dma_start3A_41 = tpu.memref_slice %arg2[%dma_start3A_39, %dma_start3A_40] : memref<100000x256xf32, #tpu.memory_space<hbm>> -> memref<100000x256xf32, #tpu.memory_space<hbm>>
    tpu.enqueue_indirect_dma source(%dma_start3A_41 : memref<100000x256xf32, #tpu.memory_space<hbm>>) target(%dma_start3A_36 : memref<32x256xf32, #tpu.memory_space<vmem>>) offsets(%dma_start3A_38 : memref<32xi32, #tpu.memory_space<vmem>>) semaphore(%arg10 : memref<!tpu.dma_semaphore, #tpu.memory_space<semaphore_mem>>)
    %dma_start3A_42 = arith.constant 4 : i32
    %dma_start3A_43 = arith.constant 0 : i32
    %dma_start3A_44 = arith.constant 0 : i32
    %dma_start3A_45 = tpu.memref_slice %arg6[%dma_start3A_42, %dma_start3A_43, %dma_start3A_44] : memref<15x32x256xf32, #tpu.memory_space<vmem>> -> memref<1x32x256xf32, #tpu.memory_space<vmem>>
    %dma_start3A_46 = tpu.memref_squeeze %dma_start3A_45 : memref<1x32x256xf32, #tpu.memory_space<vmem>> -> memref<32x256xf32, #tpu.memory_space<vmem>>
    %dma_start3A_47 = arith.constant 128 : i32
    %dma_start3A_48 = tpu.memref_slice %arg5[%dma_start3A_47] : memref<512xi32, #tpu.memory_space<vmem>> -> memref<32xi32, #tpu.memory_space<vmem>>
    %dma_start3A_49 = arith.constant 0 : i32
    %dma_start3A_50 = arith.constant 0 : i32
    %dma_start3A_51 = tpu.memref_slice %arg2[%dma_start3A_49, %dma_start3A_50] : memref<100000x256xf32, #tpu.memory_space<hbm>> -> memref<100000x256xf32, #tpu.memory_space<hbm>>
    tpu.enqueue_indirect_dma source(%dma_start3A_51 : memref<100000x256xf32, #tpu.memory_space<hbm>>) target(%dma_start3A_46 : memref<32x256xf32, #tpu.memory_space<vmem>>) offsets(%dma_start3A_48 : memref<32xi32, #tpu.memory_space<vmem>>) semaphore(%arg11 : memref<!tpu.dma_semaphore, #tpu.memory_space<semaphore_mem>>)
    %dma_start3A_52 = arith.constant 5 : i32
    %dma_start3A_53 = arith.constant 0 : i32
    %dma_start3A_54 = arith.constant 0 : i32
    %dma_start3A_55 = tpu.memref_slice %arg6[%dma_start3A_52, %dma_start3A_53, %dma_start3A_54] : memref<15x32x256xf32, #tpu.memory_space<vmem>> -> memref<1x32x256xf32, #tpu.memory_space<vmem>>
    %dma_start3A_56 = tpu.memref_squeeze %dma_start3A_55 : memref<1x32x256xf32, #tpu.memory_space<vmem>> -> memref<32x256xf32, #tpu.memory_space<vmem>>
    %dma_start3A_57 = arith.constant 160 : i32
    %dma_start3A_58 = tpu.memref_slice %arg5[%dma_start3A_57] : memref<512xi32, #tpu.memory_space<vmem>> -> memref<32xi32, #tpu.memory_space<vmem>>
    %dma_start3A_59 = arith.constant 0 : i32
    %dma_start3A_60 = arith.constant 0 : i32
    %dma_start3A_61 = tpu.memref_slice %arg2[%dma_start3A_59, %dma_start3A_60] : memref<100000x256xf32, #tpu.memory_space<hbm>> -> memref<100000x256xf32, #tpu.memory_space<hbm>>
    tpu.enqueue_indirect_dma source(%dma_start3A_61 : memref<100000x256xf32, #tpu.memory_space<hbm>>) target(%dma_start3A_56 : memref<32x256xf32, #tpu.memory_space<vmem>>) offsets(%dma_start3A_58 : memref<32xi32, #tpu.memory_space<vmem>>) semaphore(%arg12 : memref<!tpu.dma_semaphore, #tpu.memory_space<semaphore_mem>>)
    %dma_start3A_62 = arith.constant 6 : i32
    %dma_start3A_63 = arith.constant 0 : i32
    %dma_start3A_64 = arith.constant 0 : i32
    %dma_start3A_65 = tpu.memref_slice %arg6[%dma_start3A_62, %dma_start3A_63, %dma_start3A_64] : memref<15x32x256xf32, #tpu.memory_space<vmem>> -> memref<1x32x256xf32, #tpu.memory_space<vmem>>
    %dma_start3A_66 = tpu.memref_squeeze %dma_start3A_65 : memref<1x32x256xf32, #tpu.memory_space<vmem>> -> memref<32x256xf32, #tpu.memory_space<vmem>>
    %dma_start3A_67 = arith.constant 192 : i32
    %dma_start3A_68 = tpu.memref_slice %arg5[%dma_start3A_67] : memref<512xi32, #tpu.memory_space<vmem>> -> memref<32xi32, #tpu.memory_space<vmem>>
    %dma_start3A_69 = arith.constant 0 : i32
    %dma_start3A_70 = arith.constant 0 : i32
    %dma_start3A_71 = tpu.memref_slice %arg2[%dma_start3A_69, %dma_start3A_70] : memref<100000x256xf32, #tpu.memory_space<hbm>> -> memref<100000x256xf32, #tpu.memory_space<hbm>>
    tpu.enqueue_indirect_dma source(%dma_start3A_71 : memref<100000x256xf32, #tpu.memory_space<hbm>>) target(%dma_start3A_66 : memref<32x256xf32, #tpu.memory_space<vmem>>) offsets(%dma_start3A_68 : memref<32xi32, #tpu.memory_space<vmem>>) semaphore(%arg13 : memref<!tpu.dma_semaphore, #tpu.memory_space<semaphore_mem>>)
    %dma_start3A_72 = arith.constant 7 : i32
    %dma_start3A_73 = arith.constant 0 : i32
    %dma_start3A_74 = arith.constant 0 : i32
    %dma_start3A_75 = tpu.memref_slice %arg6[%dma_start3A_72, %dma_start3A_73, %dma_start3A_74] : memref<15x32x256xf32, #tpu.memory_space<vmem>> -> memref<1x32x256xf32, #tpu.memory_space<vmem>>
    %dma_start3A_76 = tpu.memref_squeeze %dma_start3A_75 : memref<1x32x256xf32, #tpu.memory_space<vmem>> -> memref<32x256xf32, #tpu.memory_space<vmem>>
    %dma_start3A_77 = arith.constant 224 : i32
    %dma_start3A_78 = tpu.memref_slice %arg5[%dma_start3A_77] : memref<512xi32, #tpu.memory_space<vmem>> -> memref<32xi32, #tpu.memory_space<vmem>>
    %dma_start3A_79 = arith.constant 0 : i32
    %dma_start3A_80 = arith.constant 0 : i32
    %dma_start3A_81 = tpu.memref_slice %arg2[%dma_start3A_79, %dma_start3A_80] : memref<100000x256xf32, #tpu.memory_space<hbm>> -> memref<100000x256xf32, #tpu.memory_space<hbm>>
    tpu.enqueue_indirect_dma source(%dma_start3A_81 : memref<100000x256xf32, #tpu.memory_space<hbm>>) target(%dma_start3A_76 : memref<32x256xf32, #tpu.memory_space<vmem>>) offsets(%dma_start3A_78 : memref<32xi32, #tpu.memory_space<vmem>>) semaphore(%arg14 : memref<!tpu.dma_semaphore, #tpu.memory_space<semaphore_mem>>)
    %dma_start3A_82 = arith.constant 8 : i32
    %dma_start3A_83 = arith.constant 0 : i32
    %dma_start3A_84 = arith.constant 0 : i32
    %dma_start3A_85 = tpu.memref_slice %arg6[%dma_start3A_82, %dma_start3A_83, %dma_start3A_84] : memref<15x32x256xf32, #tpu.memory_space<vmem>> -> memref<1x32x256xf32, #tpu.memory_space<vmem>>
    %dma_start3A_86 = tpu.memref_squeeze %dma_start3A_85 : memref<1x32x256xf32, #tpu.memory_space<vmem>> -> memref<32x256xf32, #tpu.memory_space<vmem>>
    %dma_start3A_87 = arith.constant 256 : i32
    %dma_start3A_88 = tpu.memref_slice %arg5[%dma_start3A_87] : memref<512xi32, #tpu.memory_space<vmem>> -> memref<32xi32, #tpu.memory_space<vmem>>
    %dma_start3A_89 = arith.constant 0 : i32
    %dma_start3A_90 = arith.constant 0 : i32
    %dma_start3A_91 = tpu.memref_slice %arg2[%dma_start3A_89, %dma_start3A_90] : memref<100000x256xf32, #tpu.memory_space<hbm>> -> memref<100000x256xf32, #tpu.memory_space<hbm>>
    tpu.enqueue_indirect_dma source(%dma_start3A_91 : memref<100000x256xf32, #tpu.memory_space<hbm>>) target(%dma_start3A_86 : memref<32x256xf32, #tpu.memory_space<vmem>>) offsets(%dma_start3A_88 : memref<32xi32, #tpu.memory_space<vmem>>) semaphore(%arg15 : memref<!tpu.dma_semaphore, #tpu.memory_space<semaphore_mem>>)
    %dma_start3A_92 = arith.constant 9 : i32
    %dma_start3A_93 = arith.constant 0 : i32
    %dma_start3A_94 = arith.constant 0 : i32
    %dma_start3A_95 = tpu.memref_slice %arg6[%dma_start3A_92, %dma_start3A_93, %dma_start3A_94] : memref<15x32x256xf32, #tpu.memory_space<vmem>> -> memref<1x32x256xf32, #tpu.memory_space<vmem>>
    %dma_start3A_96 = tpu.memref_squeeze %dma_start3A_95 : memref<1x32x256xf32, #tpu.memory_space<vmem>> -> memref<32x256xf32, #tpu.memory_space<vmem>>
    %dma_start3A_97 = arith.constant 288 : i32
    %dma_start3A_98 = tpu.memref_slice %arg5[%dma_start3A_97] : memref<512xi32, #tpu.memory_space<vmem>> -> memref<32xi32, #tpu.memory_space<vmem>>
    %dma_start3A_99 = arith.constant 0 : i32
    %dma_start3A_100 = arith.constant 0 : i32
    %dma_start3A_101 = tpu.memref_slice %arg2[%dma_start3A_99, %dma_start3A_100] : memref<100000x256xf32, #tpu.memory_space<hbm>> -> memref<100000x256xf32, #tpu.memory_space<hbm>>
    tpu.enqueue_indirect_dma source(%dma_start3A_101 : memref<100000x256xf32, #tpu.memory_space<hbm>>) target(%dma_start3A_96 : memref<32x256xf32, #tpu.memory_space<vmem>>) offsets(%dma_start3A_98 : memref<32xi32, #tpu.memory_space<vmem>>) semaphore(%arg16 : memref<!tpu.dma_semaphore, #tpu.memory_space<semaphore_mem>>)
    %dma_start3A_102 = arith.constant 10 : i32
    %dma_start3A_103 = arith.constant 0 : i32
    %dma_start3A_104 = arith.constant 0 : i32
    %dma_start3A_105 = tpu.memref_slice %arg6[%dma_start3A_102, %dma_start3A_103, %dma_start3A_104] : memref<15x32x256xf32, #tpu.memory_space<vmem>> -> memref<1x32x256xf32, #tpu.memory_space<vmem>>
    %dma_start3A_106 = tpu.memref_squeeze %dma_start3A_105 : memref<1x32x256xf32, #tpu.memory_space<vmem>> -> memref<32x256xf32, #tpu.memory_space<vmem>>
    %dma_start3A_107 = arith.constant 320 : i32
    %dma_start3A_108 = tpu.memref_slice %arg5[%dma_start3A_107] : memref<512xi32, #tpu.memory_space<vmem>> -> memref<32xi32, #tpu.memory_space<vmem>>
    %dma_start3A_109 = arith.constant 0 : i32
    %dma_start3A_110 = arith.constant 0 : i32
    %dma_start3A_111 = tpu.memref_slice %arg2[%dma_start3A_109, %dma_start3A_110] : memref<100000x256xf32, #tpu.memory_space<hbm>> -> memref<100000x256xf32, #tpu.memory_space<hbm>>
    tpu.enqueue_indirect_dma source(%dma_start3A_111 : memref<100000x256xf32, #tpu.memory_space<hbm>>) target(%dma_start3A_106 : memref<32x256xf32, #tpu.memory_space<vmem>>) offsets(%dma_start3A_108 : memref<32xi32, #tpu.memory_space<vmem>>) semaphore(%arg17 : memref<!tpu.dma_semaphore, #tpu.memory_space<semaphore_mem>>)
    %dma_start3A_112 = arith.constant 11 : i32
    %dma_start3A_113 = arith.constant 0 : i32
    %dma_start3A_114 = arith.constant 0 : i32
    %dma_start3A_115 = tpu.memref_slice %arg6[%dma_start3A_112, %dma_start3A_113, %dma_start3A_114] : memref<15x32x256xf32, #tpu.memory_space<vmem>> -> memref<1x32x256xf32, #tpu.memory_space<vmem>>
    %dma_start3A_116 = tpu.memref_squeeze %dma_start3A_115 : memref<1x32x256xf32, #tpu.memory_space<vmem>> -> memref<32x256xf32, #tpu.memory_space<vmem>>
    %dma_start3A_117 = arith.constant 352 : i32
    %dma_start3A_118 = tpu.memref_slice %arg5[%dma_start3A_117] : memref<512xi32, #tpu.memory_space<vmem>> -> memref<32xi32, #tpu.memory_space<vmem>>
    %dma_start3A_119 = arith.constant 0 : i32
    %dma_start3A_120 = arith.constant 0 : i32
    %dma_start3A_121 = tpu.memref_slice %arg2[%dma_start3A_119, %dma_start3A_120] : memref<100000x256xf32, #tpu.memory_space<hbm>> -> memref<100000x256xf32, #tpu.memory_space<hbm>>
    tpu.enqueue_indirect_dma source(%dma_start3A_121 : memref<100000x256xf32, #tpu.memory_space<hbm>>) target(%dma_start3A_116 : memref<32x256xf32, #tpu.memory_space<vmem>>) offsets(%dma_start3A_118 : memref<32xi32, #tpu.memory_space<vmem>>) semaphore(%arg18 : memref<!tpu.dma_semaphore, #tpu.memory_space<semaphore_mem>>)
    %dma_start3A_122 = arith.constant 12 : i32
    %dma_start3A_123 = arith.constant 0 : i32
    %dma_start3A_124 = arith.constant 0 : i32
    %dma_start3A_125 = tpu.memref_slice %arg6[%dma_start3A_122, %dma_start3A_123, %dma_start3A_124] : memref<15x32x256xf32, #tpu.memory_space<vmem>> -> memref<1x32x256xf32, #tpu.memory_space<vmem>>
    %dma_start3A_126 = tpu.memref_squeeze %dma_start3A_125 : memref<1x32x256xf32, #tpu.memory_space<vmem>> -> memref<32x256xf32, #tpu.memory_space<vmem>>
    %dma_start3A_127 = arith.constant 384 : i32
    %dma_start3A_128 = tpu.memref_slice %arg5[%dma_start3A_127] : memref<512xi32, #tpu.memory_space<vmem>> -> memref<32xi32, #tpu.memory_space<vmem>>
    %dma_start3A_129 = arith.constant 0 : i32
    %dma_start3A_130 = arith.constant 0 : i32
    %dma_start3A_131 = tpu.memref_slice %arg2[%dma_start3A_129, %dma_start3A_130] : memref<100000x256xf32, #tpu.memory_space<hbm>> -> memref<100000x256xf32, #tpu.memory_space<hbm>>
    tpu.enqueue_indirect_dma source(%dma_start3A_131 : memref<100000x256xf32, #tpu.memory_space<hbm>>) target(%dma_start3A_126 : memref<32x256xf32, #tpu.memory_space<vmem>>) offsets(%dma_start3A_128 : memref<32xi32, #tpu.memory_space<vmem>>) semaphore(%arg19 : memref<!tpu.dma_semaphore, #tpu.memory_space<semaphore_mem>>)
    %dma_start3A_132 = arith.constant 13 : i32
    %dma_start3A_133 = arith.constant 0 : i32
    %dma_start3A_134 = arith.constant 0 : i32
    %dma_start3A_135 = tpu.memref_slice %arg6[%dma_start3A_132, %dma_start3A_133, %dma_start3A_134] : memref<15x32x256xf32, #tpu.memory_space<vmem>> -> memref<1x32x256xf32, #tpu.memory_space<vmem>>
    %dma_start3A_136 = tpu.memref_squeeze %dma_start3A_135 : memref<1x32x256xf32, #tpu.memory_space<vmem>> -> memref<32x256xf32, #tpu.memory_space<vmem>>
    %dma_start3A_137 = arith.constant 416 : i32
    %dma_start3A_138 = tpu.memref_slice %arg5[%dma_start3A_137] : memref<512xi32, #tpu.memory_space<vmem>> -> memref<32xi32, #tpu.memory_space<vmem>>
    %dma_start3A_139 = arith.constant 0 : i32
    %dma_start3A_140 = arith.constant 0 : i32
    %dma_start3A_141 = tpu.memref_slice %arg2[%dma_start3A_139, %dma_start3A_140] : memref<100000x256xf32, #tpu.memory_space<hbm>> -> memref<100000x256xf32, #tpu.memory_space<hbm>>
    tpu.enqueue_indirect_dma source(%dma_start3A_141 : memref<100000x256xf32, #tpu.memory_space<hbm>>) target(%dma_start3A_136 : memref<32x256xf32, #tpu.memory_space<vmem>>) offsets(%dma_start3A_138 : memref<32xi32, #tpu.memory_space<vmem>>) semaphore(%arg20 : memref<!tpu.dma_semaphore, #tpu.memory_space<semaphore_mem>>)
    %dma_start3A_142 = arith.constant 14 : i32
    %dma_start3A_143 = arith.constant 0 : i32
    %dma_start3A_144 = arith.constant 0 : i32
    %dma_start3A_145 = tpu.memref_slice %arg6[%dma_start3A_142, %dma_start3A_143, %dma_start3A_144] : memref<15x32x256xf32, #tpu.memory_space<vmem>> -> memref<1x32x256xf32, #tpu.memory_space<vmem>>
    %dma_start3A_146 = tpu.memref_squeeze %dma_start3A_145 : memref<1x32x256xf32, #tpu.memory_space<vmem>> -> memref<32x256xf32, #tpu.memory_space<vmem>>
    %dma_start3A_147 = arith.constant 448 : i32
    %dma_start3A_148 = tpu.memref_slice %arg5[%dma_start3A_147] : memref<512xi32, #tpu.memory_space<vmem>> -> memref<32xi32, #tpu.memory_space<vmem>>
    %dma_start3A_149 = arith.constant 0 : i32
    %dma_start3A_150 = arith.constant 0 : i32
    %dma_start3A_151 = tpu.memref_slice %arg2[%dma_start3A_149, %dma_start3A_150] : memref<100000x256xf32, #tpu.memory_space<hbm>> -> memref<100000x256xf32, #tpu.memory_space<hbm>>
    tpu.enqueue_indirect_dma source(%dma_start3A_151 : memref<100000x256xf32, #tpu.memory_space<hbm>>) target(%dma_start3A_146 : memref<32x256xf32, #tpu.memory_space<vmem>>) offsets(%dma_start3A_148 : memref<32xi32, #tpu.memory_space<vmem>>) semaphore(%arg21 : memref<!tpu.dma_semaphore, #tpu.memory_space<semaphore_mem>>)
    %dma_wait3A = arith.constant 0 : i32
    %dma_wait3A_152 = arith.constant 0 : i32
    %dma_wait3A_153 = arith.constant 0 : i32
    %dma_wait3A_154 = tpu.memref_slice %arg6[%dma_wait3A, %dma_wait3A_152, %dma_wait3A_153] : memref<15x32x256xf32, #tpu.memory_space<vmem>> -> memref<1x32x256xf32, #tpu.memory_space<vmem>>
    %dma_wait3A_155 = tpu.memref_squeeze %dma_wait3A_154 : memref<1x32x256xf32, #tpu.memory_space<vmem>> -> memref<32x256xf32, #tpu.memory_space<vmem>>
    %dma_wait3A_156 = arith.constant 0 : i32
    %dma_wait3A_157 = tpu.memref_slice %arg5[%dma_wait3A_156] : memref<512xi32, #tpu.memory_space<vmem>> -> memref<32xi32, #tpu.memory_space<vmem>>
    %dma_wait3A_158 = arith.constant 0 : i32
    %dma_wait3A_159 = arith.constant 0 : i32
    %dma_wait3A_160 = tpu.memref_slice %arg2[%dma_wait3A_158, %dma_wait3A_159] : memref<100000x256xf32, #tpu.memory_space<hbm>> -> memref<100000x256xf32, #tpu.memory_space<hbm>>
    tpu.wait_indirect_dma semaphore(%arg7 : memref<!tpu.dma_semaphore, #tpu.memory_space<semaphore_mem>>) src(%dma_wait3A_160 : memref<100000x256xf32, #tpu.memory_space<hbm>>) dst(%dma_wait3A_155 : memref<32x256xf32, #tpu.memory_space<vmem>>)
    %add3A_161 = arith.constant 0 : i32
    %add3A_162 = arith.addi %mul3A_2, %add3A_161 : i32
    %dma_start3A_163 = arith.constant 0 : i32
    %dma_start3A_164 = arith.constant 0 : i32
    %dma_start3A_165 = arith.constant 0 : i32
    %dma_start3A_166 = tpu.memref_slice %arg6[%dma_start3A_163, %dma_start3A_164, %dma_start3A_165] : memref<15x32x256xf32, #tpu.memory_space<vmem>> -> memref<1x32x256xf32, #tpu.memory_space<vmem>>
    %dma_start3A_167 = tpu.memref_squeeze %dma_start3A_166 : memref<1x32x256xf32, #tpu.memory_space<vmem>> -> memref<32x256xf32, #tpu.memory_space<vmem>>
    %dma_start3A_168 = arith.constant 0 : i32
    %dma_start3A_169 = tpu.memref_slice %arg4[%add3A_162, %dma_start3A_168] : memref<16384x256xf32, #tpu.memory_space<hbm>> -> memref<32x256xf32, #tpu.memory_space<hbm>>
    %dma_start3A_170 = arith.constant 0 : i32
    %dma_start3A_171 = tpu.memref_slice %arg4[%add3A_162, %dma_start3A_170] : memref<16384x256xf32, #tpu.memory_space<hbm>> -> memref<32x256xf32, #tpu.memory_space<hbm>>
    %dma_start3A_172 = arith.constant 0 : i32
    %dma_start3A_173 = arith.constant 0 : i32
    %dma_start3A_174 = tpu.memref_slice %arg6[%dma_start3A_163, %dma_start3A_172, %dma_start3A_173] : memref<15x32x256xf32, #tpu.memory_space<vmem>> -> memref<1x32x256xf32, #tpu.memory_space<vmem>>
    %dma_start3A_175 = tpu.memref_squeeze %dma_start3A_174 : memref<1x32x256xf32, #tpu.memory_space<vmem>> -> memref<32x256xf32, #tpu.memory_space<vmem>>
    tpu.enqueue_dma source(%dma_start3A_175 : memref<32x256xf32, #tpu.memory_space<vmem>>) target(%dma_start3A_171 : memref<32x256xf32, #tpu.memory_space<hbm>>) target_semaphore(%arg22 : memref<!tpu.dma_semaphore, #tpu.memory_space<semaphore_mem>>)
    %dma_wait3A_176 = arith.constant 0 : i32
    %dma_wait3A_177 = arith.constant 0 : i32
    %dma_wait3A_178 = arith.constant 0 : i32
    %dma_wait3A_179 = tpu.memref_slice %arg6[%dma_wait3A_176, %dma_wait3A_177, %dma_wait3A_178] : memref<15x32x256xf32, #tpu.memory_space<vmem>> -> memref<1x32x256xf32, #tpu.memory_space<vmem>>
    %dma_wait3A_180 = tpu.memref_squeeze %dma_wait3A_179 : memref<1x32x256xf32, #tpu.memory_space<vmem>> -> memref<32x256xf32, #tpu.memory_space<vmem>>
    %dma_wait3A_181 = arith.constant 0 : i32
    %dma_wait3A_182 = tpu.memref_slice %arg4[%add3A_162, %dma_wait3A_181] : memref<16384x256xf32, #tpu.memory_space<hbm>> -> memref<32x256xf32, #tpu.memory_space<hbm>>
    %dma_wait3A_183 = arith.constant 0 : i32
    %dma_wait3A_184 = tpu.memref_slice %arg4[%add3A_162, %dma_wait3A_183] : memref<16384x256xf32, #tpu.memory_space<hbm>> -> memref<32x256xf32, #tpu.memory_space<hbm>>
    %dma_wait3A_185 = arith.constant 0 : i32
    %dma_wait3A_186 = arith.constant 0 : i32
    %dma_wait3A_187 = tpu.memref_slice %arg6[%dma_wait3A_176, %dma_wait3A_185, %dma_wait3A_186] : memref<15x32x256xf32, #tpu.memory_space<vmem>> -> memref<1x32x256xf32, #tpu.memory_space<vmem>>
    %dma_wait3A_188 = tpu.memref_squeeze %dma_wait3A_187 : memref<1x32x256xf32, #tpu.memory_space<vmem>> -> memref<32x256xf32, #tpu.memory_space<vmem>>
    tpu.wait_dma2 semaphore(%arg22 : memref<!tpu.dma_semaphore, #tpu.memory_space<semaphore_mem>>) src(%dma_wait3A_188 : memref<32x256xf32, #tpu.memory_space<vmem>>) dst(%dma_wait3A_184 : memref<32x256xf32, #tpu.memory_space<hbm>>)
    %dma_start3A_189 = arith.constant 0 : i32
    %dma_start3A_190 = arith.constant 0 : i32
    %dma_start3A_191 = arith.constant 0 : i32
    %dma_start3A_192 = tpu.memref_slice %arg6[%dma_start3A_189, %dma_start3A_190, %dma_start3A_191] : memref<15x32x256xf32, #tpu.memory_space<vmem>> -> memref<1x32x256xf32, #tpu.memory_space<vmem>>
    %dma_start3A_193 = tpu.memref_squeeze %dma_start3A_192 : memref<1x32x256xf32, #tpu.memory_space<vmem>> -> memref<32x256xf32, #tpu.memory_space<vmem>>
    %dma_start3A_194 = arith.constant 480 : i32
    %dma_start3A_195 = tpu.memref_slice %arg5[%dma_start3A_194] : memref<512xi32, #tpu.memory_space<vmem>> -> memref<32xi32, #tpu.memory_space<vmem>>
    %dma_start3A_196 = arith.constant 0 : i32
    %dma_start3A_197 = arith.constant 0 : i32
    %dma_start3A_198 = tpu.memref_slice %arg2[%dma_start3A_196, %dma_start3A_197] : memref<100000x256xf32, #tpu.memory_space<hbm>> -> memref<100000x256xf32, #tpu.memory_space<hbm>>
    tpu.enqueue_indirect_dma source(%dma_start3A_198 : memref<100000x256xf32, #tpu.memory_space<hbm>>) target(%dma_start3A_193 : memref<32x256xf32, #tpu.memory_space<vmem>>) offsets(%dma_start3A_195 : memref<32xi32, #tpu.memory_space<vmem>>) semaphore(%arg7 : memref<!tpu.dma_semaphore, #tpu.memory_space<semaphore_mem>>)
    %dma_wait3A_199 = arith.constant 1 : i32
    %dma_wait3A_200 = arith.constant 0 : i32
    %dma_wait3A_201 = arith.constant 0 : i32
    %dma_wait3A_202 = tpu.memref_slice %arg6[%dma_wait3A_199, %dma_wait3A_200, %dma_wait3A_201] : memref<15x32x256xf32, #tpu.memory_space<vmem>> -> memref<1x32x256xf32, #tpu.memory_space<vmem>>
    %dma_wait3A_203 = tpu.memref_squeeze %dma_wait3A_202 : memref<1x32x256xf32, #tpu.memory_space<vmem>> -> memref<32x256xf32, #tpu.memory_space<vmem>>
    %dma_wait3A_204 = arith.constant 32 : i32
    %dma_wait3A_205 = tpu.memref_slice %arg5[%dma_wait3A_204] : memref<512xi32, #tpu.memory_space<vmem>> -> memref<32xi32, #tpu.memory_space<vmem>>
    %dma_wait3A_206 = arith.constant 0 : i32
    %dma_wait3A_207 = arith.constant 0 : i32
    %dma_wait3A_208 = tpu.memref_slice %arg2[%dma_wait3A_206, %dma_wait3A_207] : memref<100000x256xf32, #tpu.memory_space<hbm>> -> memref<100000x256xf32, #tpu.memory_space<hbm>>
    tpu.wait_indirect_dma semaphore(%arg8 : memref<!tpu.dma_semaphore, #tpu.memory_space<semaphore_mem>>) src(%dma_wait3A_208 : memref<100000x256xf32, #tpu.memory_space<hbm>>) dst(%dma_wait3A_203 : memref<32x256xf32, #tpu.memory_space<vmem>>)
    %add3A_209 = arith.constant 32 : i32
    %add3A_210 = arith.addi %mul3A_2, %add3A_209 : i32
    %dma_start3A_211 = arith.constant 1 : i32
    %dma_start3A_212 = arith.constant 0 : i32
    %dma_start3A_213 = arith.constant 0 : i32
    %dma_start3A_214 = tpu.memref_slice %arg6[%dma_start3A_211, %dma_start3A_212, %dma_start3A_213] : memref<15x32x256xf32, #tpu.memory_space<vmem>> -> memref<1x32x256xf32, #tpu.memory_space<vmem>>
    %dma_start3A_215 = tpu.memref_squeeze %dma_start3A_214 : memref<1x32x256xf32, #tpu.memory_space<vmem>> -> memref<32x256xf32, #tpu.memory_space<vmem>>
    %dma_start3A_216 = arith.constant 0 : i32
    %dma_start3A_217 = tpu.memref_slice %arg4[%add3A_210, %dma_start3A_216] : memref<16384x256xf32, #tpu.memory_space<hbm>> -> memref<32x256xf32, #tpu.memory_space<hbm>>
    %dma_start3A_218 = arith.constant 0 : i32
    %dma_start3A_219 = tpu.memref_slice %arg4[%add3A_210, %dma_start3A_218] : memref<16384x256xf32, #tpu.memory_space<hbm>> -> memref<32x256xf32, #tpu.memory_space<hbm>>
    %dma_start3A_220 = arith.constant 0 : i32
    %dma_start3A_221 = arith.constant 0 : i32
    %dma_start3A_222 = tpu.memref_slice %arg6[%dma_start3A_211, %dma_start3A_220, %dma_start3A_221] : memref<15x32x256xf32, #tpu.memory_space<vmem>> -> memref<1x32x256xf32, #tpu.memory_space<vmem>>
    %dma_start3A_223 = tpu.memref_squeeze %dma_start3A_222 : memref<1x32x256xf32, #tpu.memory_space<vmem>> -> memref<32x256xf32, #tpu.memory_space<vmem>>
    tpu.enqueue_dma source(%dma_start3A_223 : memref<32x256xf32, #tpu.memory_space<vmem>>) target(%dma_start3A_219 : memref<32x256xf32, #tpu.memory_space<hbm>>) target_semaphore(%arg23 : memref<!tpu.dma_semaphore, #tpu.memory_space<semaphore_mem>>)
    %dma_wait3A_224 = arith.constant 2 : i32
    %dma_wait3A_225 = arith.constant 0 : i32
    %dma_wait3A_226 = arith.constant 0 : i32
    %dma_wait3A_227 = tpu.memref_slice %arg6[%dma_wait3A_224, %dma_wait3A_225, %dma_wait3A_226] : memref<15x32x256xf32, #tpu.memory_space<vmem>> -> memref<1x32x256xf32, #tpu.memory_space<vmem>>
    %dma_wait3A_228 = tpu.memref_squeeze %dma_wait3A_227 : memref<1x32x256xf32, #tpu.memory_space<vmem>> -> memref<32x256xf32, #tpu.memory_space<vmem>>
    %dma_wait3A_229 = arith.constant 64 : i32
    %dma_wait3A_230 = tpu.memref_slice %arg5[%dma_wait3A_229] : memref<512xi32, #tpu.memory_space<vmem>> -> memref<32xi32, #tpu.memory_space<vmem>>
    %dma_wait3A_231 = arith.constant 0 : i32
    %dma_wait3A_232 = arith.constant 0 : i32
    %dma_wait3A_233 = tpu.memref_slice %arg2[%dma_wait3A_231, %dma_wait3A_232] : memref<100000x256xf32, #tpu.memory_space<hbm>> -> memref<100000x256xf32, #tpu.memory_space<hbm>>
    tpu.wait_indirect_dma semaphore(%arg9 : memref<!tpu.dma_semaphore, #tpu.memory_space<semaphore_mem>>) src(%dma_wait3A_233 : memref<100000x256xf32, #tpu.memory_space<hbm>>) dst(%dma_wait3A_228 : memref<32x256xf32, #tpu.memory_space<vmem>>)
    %add3A_234 = arith.constant 64 : i32
    %add3A_235 = arith.addi %mul3A_2, %add3A_234 : i32
    %dma_start3A_236 = arith.constant 2 : i32
    %dma_start3A_237 = arith.constant 0 : i32
    %dma_start3A_238 = arith.constant 0 : i32
    %dma_start3A_239 = tpu.memref_slice %arg6[%dma_start3A_236, %dma_start3A_237, %dma_start3A_238] : memref<15x32x256xf32, #tpu.memory_space<vmem>> -> memref<1x32x256xf32, #tpu.memory_space<vmem>>
    %dma_start3A_240 = tpu.memref_squeeze %dma_start3A_239 : memref<1x32x256xf32, #tpu.memory_space<vmem>> -> memref<32x256xf32, #tpu.memory_space<vmem>>
    %dma_start3A_241 = arith.constant 0 : i32
    %dma_start3A_242 = tpu.memref_slice %arg4[%add3A_235, %dma_start3A_241] : memref<16384x256xf32, #tpu.memory_space<hbm>> -> memref<32x256xf32, #tpu.memory_space<hbm>>
    %dma_start3A_243 = arith.constant 0 : i32
    %dma_start3A_244 = tpu.memref_slice %arg4[%add3A_235, %dma_start3A_243] : memref<16384x256xf32, #tpu.memory_space<hbm>> -> memref<32x256xf32, #tpu.memory_space<hbm>>
    %dma_start3A_245 = arith.constant 0 : i32
    %dma_start3A_246 = arith.constant 0 : i32
    %dma_start3A_247 = tpu.memref_slice %arg6[%dma_start3A_236, %dma_start3A_245, %dma_start3A_246] : memref<15x32x256xf32, #tpu.memory_space<vmem>> -> memref<1x32x256xf32, #tpu.memory_space<vmem>>
    %dma_start3A_248 = tpu.memref_squeeze %dma_start3A_247 : memref<1x32x256xf32, #tpu.memory_space<vmem>> -> memref<32x256xf32, #tpu.memory_space<vmem>>
    tpu.enqueue_dma source(%dma_start3A_248 : memref<32x256xf32, #tpu.memory_space<vmem>>) target(%dma_start3A_244 : memref<32x256xf32, #tpu.memory_space<hbm>>) target_semaphore(%arg24 : memref<!tpu.dma_semaphore, #tpu.memory_space<semaphore_mem>>)
    %dma_wait3A_249 = arith.constant 3 : i32
    %dma_wait3A_250 = arith.constant 0 : i32
    %dma_wait3A_251 = arith.constant 0 : i32
    %dma_wait3A_252 = tpu.memref_slice %arg6[%dma_wait3A_249, %dma_wait3A_250, %dma_wait3A_251] : memref<15x32x256xf32, #tpu.memory_space<vmem>> -> memref<1x32x256xf32, #tpu.memory_space<vmem>>
    %dma_wait3A_253 = tpu.memref_squeeze %dma_wait3A_252 : memref<1x32x256xf32, #tpu.memory_space<vmem>> -> memref<32x256xf32, #tpu.memory_space<vmem>>
    %dma_wait3A_254 = arith.constant 96 : i32
    %dma_wait3A_255 = tpu.memref_slice %arg5[%dma_wait3A_254] : memref<512xi32, #tpu.memory_space<vmem>> -> memref<32xi32, #tpu.memory_space<vmem>>
    %dma_wait3A_256 = arith.constant 0 : i32
    %dma_wait3A_257 = arith.constant 0 : i32
    %dma_wait3A_258 = tpu.memref_slice %arg2[%dma_wait3A_256, %dma_wait3A_257] : memref<100000x256xf32, #tpu.memory_space<hbm>> -> memref<100000x256xf32, #tpu.memory_space<hbm>>
    tpu.wait_indirect_dma semaphore(%arg10 : memref<!tpu.dma_semaphore, #tpu.memory_space<semaphore_mem>>) src(%dma_wait3A_258 : memref<100000x256xf32, #tpu.memory_space<hbm>>) dst(%dma_wait3A_253 : memref<32x256xf32, #tpu.memory_space<vmem>>)
    %add3A_259 = arith.constant 96 : i32
    %add3A_260 = arith.addi %mul3A_2, %add3A_259 : i32
    %dma_start3A_261 = arith.constant 3 : i32
    %dma_start3A_262 = arith.constant 0 : i32
    %dma_start3A_263 = arith.constant 0 : i32
    %dma_start3A_264 = tpu.memref_slice %arg6[%dma_start3A_261, %dma_start3A_262, %dma_start3A_263] : memref<15x32x256xf32, #tpu.memory_space<vmem>> -> memref<1x32x256xf32, #tpu.memory_space<vmem>>
    %dma_start3A_265 = tpu.memref_squeeze %dma_start3A_264 : memref<1x32x256xf32, #tpu.memory_space<vmem>> -> memref<32x256xf32, #tpu.memory_space<vmem>>
    %dma_start3A_266 = arith.constant 0 : i32
    %dma_start3A_267 = tpu.memref_slice %arg4[%add3A_260, %dma_start3A_266] : memref<16384x256xf32, #tpu.memory_space<hbm>> -> memref<32x256xf32, #tpu.memory_space<hbm>>
    %dma_start3A_268 = arith.constant 0 : i32
    %dma_start3A_269 = tpu.memref_slice %arg4[%add3A_260, %dma_start3A_268] : memref<16384x256xf32, #tpu.memory_space<hbm>> -> memref<32x256xf32, #tpu.memory_space<hbm>>
    %dma_start3A_270 = arith.constant 0 : i32
    %dma_start3A_271 = arith.constant 0 : i32
    %dma_start3A_272 = tpu.memref_slice %arg6[%dma_start3A_261, %dma_start3A_270, %dma_start3A_271] : memref<15x32x256xf32, #tpu.memory_space<vmem>> -> memref<1x32x256xf32, #tpu.memory_space<vmem>>
    %dma_start3A_273 = tpu.memref_squeeze %dma_start3A_272 : memref<1x32x256xf32, #tpu.memory_space<vmem>> -> memref<32x256xf32, #tpu.memory_space<vmem>>
    tpu.enqueue_dma source(%dma_start3A_273 : memref<32x256xf32, #tpu.memory_space<vmem>>) target(%dma_start3A_269 : memref<32x256xf32, #tpu.memory_space<hbm>>) target_semaphore(%arg25 : memref<!tpu.dma_semaphore, #tpu.memory_space<semaphore_mem>>)
    %dma_wait3A_274 = arith.constant 4 : i32
    %dma_wait3A_275 = arith.constant 0 : i32
    %dma_wait3A_276 = arith.constant 0 : i32
    %dma_wait3A_277 = tpu.memref_slice %arg6[%dma_wait3A_274, %dma_wait3A_275, %dma_wait3A_276] : memref<15x32x256xf32, #tpu.memory_space<vmem>> -> memref<1x32x256xf32, #tpu.memory_space<vmem>>
    %dma_wait3A_278 = tpu.memref_squeeze %dma_wait3A_277 : memref<1x32x256xf32, #tpu.memory_space<vmem>> -> memref<32x256xf32, #tpu.memory_space<vmem>>
    %dma_wait3A_279 = arith.constant 128 : i32
    %dma_wait3A_280 = tpu.memref_slice %arg5[%dma_wait3A_279] : memref<512xi32, #tpu.memory_space<vmem>> -> memref<32xi32, #tpu.memory_space<vmem>>
    %dma_wait3A_281 = arith.constant 0 : i32
    %dma_wait3A_282 = arith.constant 0 : i32
    %dma_wait3A_283 = tpu.memref_slice %arg2[%dma_wait3A_281, %dma_wait3A_282] : memref<100000x256xf32, #tpu.memory_space<hbm>> -> memref<100000x256xf32, #tpu.memory_space<hbm>>
    tpu.wait_indirect_dma semaphore(%arg11 : memref<!tpu.dma_semaphore, #tpu.memory_space<semaphore_mem>>) src(%dma_wait3A_283 : memref<100000x256xf32, #tpu.memory_space<hbm>>) dst(%dma_wait3A_278 : memref<32x256xf32, #tpu.memory_space<vmem>>)
    %add3A_284 = arith.constant 128 : i32
    %add3A_285 = arith.addi %mul3A_2, %add3A_284 : i32
    %dma_start3A_286 = arith.constant 4 : i32
    %dma_start3A_287 = arith.constant 0 : i32
    %dma_start3A_288 = arith.constant 0 : i32
    %dma_start3A_289 = tpu.memref_slice %arg6[%dma_start3A_286, %dma_start3A_287, %dma_start3A_288] : memref<15x32x256xf32, #tpu.memory_space<vmem>> -> memref<1x32x256xf32, #tpu.memory_space<vmem>>
    %dma_start3A_290 = tpu.memref_squeeze %dma_start3A_289 : memref<1x32x256xf32, #tpu.memory_space<vmem>> -> memref<32x256xf32, #tpu.memory_space<vmem>>
    %dma_start3A_291 = arith.constant 0 : i32
    %dma_start3A_292 = tpu.memref_slice %arg4[%add3A_285, %dma_start3A_291] : memref<16384x256xf32, #tpu.memory_space<hbm>> -> memref<32x256xf32, #tpu.memory_space<hbm>>
    %dma_start3A_293 = arith.constant 0 : i32
    %dma_start3A_294 = tpu.memref_slice %arg4[%add3A_285, %dma_start3A_293] : memref<16384x256xf32, #tpu.memory_space<hbm>> -> memref<32x256xf32, #tpu.memory_space<hbm>>
    %dma_start3A_295 = arith.constant 0 : i32
    %dma_start3A_296 = arith.constant 0 : i32
    %dma_start3A_297 = tpu.memref_slice %arg6[%dma_start3A_286, %dma_start3A_295, %dma_start3A_296] : memref<15x32x256xf32, #tpu.memory_space<vmem>> -> memref<1x32x256xf32, #tpu.memory_space<vmem>>
    %dma_start3A_298 = tpu.memref_squeeze %dma_start3A_297 : memref<1x32x256xf32, #tpu.memory_space<vmem>> -> memref<32x256xf32, #tpu.memory_space<vmem>>
    tpu.enqueue_dma source(%dma_start3A_298 : memref<32x256xf32, #tpu.memory_space<vmem>>) target(%dma_start3A_294 : memref<32x256xf32, #tpu.memory_space<hbm>>) target_semaphore(%arg26 : memref<!tpu.dma_semaphore, #tpu.memory_space<semaphore_mem>>)
    %dma_wait3A_299 = arith.constant 5 : i32
    %dma_wait3A_300 = arith.constant 0 : i32
    %dma_wait3A_301 = arith.constant 0 : i32
    %dma_wait3A_302 = tpu.memref_slice %arg6[%dma_wait3A_299, %dma_wait3A_300, %dma_wait3A_301] : memref<15x32x256xf32, #tpu.memory_space<vmem>> -> memref<1x32x256xf32, #tpu.memory_space<vmem>>
    %dma_wait3A_303 = tpu.memref_squeeze %dma_wait3A_302 : memref<1x32x256xf32, #tpu.memory_space<vmem>> -> memref<32x256xf32, #tpu.memory_space<vmem>>
    %dma_wait3A_304 = arith.constant 160 : i32
    %dma_wait3A_305 = tpu.memref_slice %arg5[%dma_wait3A_304] : memref<512xi32, #tpu.memory_space<vmem>> -> memref<32xi32, #tpu.memory_space<vmem>>
    %dma_wait3A_306 = arith.constant 0 : i32
    %dma_wait3A_307 = arith.constant 0 : i32
    %dma_wait3A_308 = tpu.memref_slice %arg2[%dma_wait3A_306, %dma_wait3A_307] : memref<100000x256xf32, #tpu.memory_space<hbm>> -> memref<100000x256xf32, #tpu.memory_space<hbm>>
    tpu.wait_indirect_dma semaphore(%arg12 : memref<!tpu.dma_semaphore, #tpu.memory_space<semaphore_mem>>) src(%dma_wait3A_308 : memref<100000x256xf32, #tpu.memory_space<hbm>>) dst(%dma_wait3A_303 : memref<32x256xf32, #tpu.memory_space<vmem>>)
    %add3A_309 = arith.constant 160 : i32
    %add3A_310 = arith.addi %mul3A_2, %add3A_309 : i32
    %dma_start3A_311 = arith.constant 5 : i32
    %dma_start3A_312 = arith.constant 0 : i32
    %dma_start3A_313 = arith.constant 0 : i32
    %dma_start3A_314 = tpu.memref_slice %arg6[%dma_start3A_311, %dma_start3A_312, %dma_start3A_313] : memref<15x32x256xf32, #tpu.memory_space<vmem>> -> memref<1x32x256xf32, #tpu.memory_space<vmem>>
    %dma_start3A_315 = tpu.memref_squeeze %dma_start3A_314 : memref<1x32x256xf32, #tpu.memory_space<vmem>> -> memref<32x256xf32, #tpu.memory_space<vmem>>
    %dma_start3A_316 = arith.constant 0 : i32
    %dma_start3A_317 = tpu.memref_slice %arg4[%add3A_310, %dma_start3A_316] : memref<16384x256xf32, #tpu.memory_space<hbm>> -> memref<32x256xf32, #tpu.memory_space<hbm>>
    %dma_start3A_318 = arith.constant 0 : i32
    %dma_start3A_319 = tpu.memref_slice %arg4[%add3A_310, %dma_start3A_318] : memref<16384x256xf32, #tpu.memory_space<hbm>> -> memref<32x256xf32, #tpu.memory_space<hbm>>
    %dma_start3A_320 = arith.constant 0 : i32
    %dma_start3A_321 = arith.constant 0 : i32
    %dma_start3A_322 = tpu.memref_slice %arg6[%dma_start3A_311, %dma_start3A_320, %dma_start3A_321] : memref<15x32x256xf32, #tpu.memory_space<vmem>> -> memref<1x32x256xf32, #tpu.memory_space<vmem>>
    %dma_start3A_323 = tpu.memref_squeeze %dma_start3A_322 : memref<1x32x256xf32, #tpu.memory_space<vmem>> -> memref<32x256xf32, #tpu.memory_space<vmem>>
    tpu.enqueue_dma source(%dma_start3A_323 : memref<32x256xf32, #tpu.memory_space<vmem>>) target(%dma_start3A_319 : memref<32x256xf32, #tpu.memory_space<hbm>>) target_semaphore(%arg27 : memref<!tpu.dma_semaphore, #tpu.memory_space<semaphore_mem>>)
    %dma_wait3A_324 = arith.constant 6 : i32
    %dma_wait3A_325 = arith.constant 0 : i32
    %dma_wait3A_326 = arith.constant 0 : i32
    %dma_wait3A_327 = tpu.memref_slice %arg6[%dma_wait3A_324, %dma_wait3A_325, %dma_wait3A_326] : memref<15x32x256xf32, #tpu.memory_space<vmem>> -> memref<1x32x256xf32, #tpu.memory_space<vmem>>
    %dma_wait3A_328 = tpu.memref_squeeze %dma_wait3A_327 : memref<1x32x256xf32, #tpu.memory_space<vmem>> -> memref<32x256xf32, #tpu.memory_space<vmem>>
    %dma_wait3A_329 = arith.constant 192 : i32
    %dma_wait3A_330 = tpu.memref_slice %arg5[%dma_wait3A_329] : memref<512xi32, #tpu.memory_space<vmem>> -> memref<32xi32, #tpu.memory_space<vmem>>
    %dma_wait3A_331 = arith.constant 0 : i32
    %dma_wait3A_332 = arith.constant 0 : i32
    %dma_wait3A_333 = tpu.memref_slice %arg2[%dma_wait3A_331, %dma_wait3A_332] : memref<100000x256xf32, #tpu.memory_space<hbm>> -> memref<100000x256xf32, #tpu.memory_space<hbm>>
    tpu.wait_indirect_dma semaphore(%arg13 : memref<!tpu.dma_semaphore, #tpu.memory_space<semaphore_mem>>) src(%dma_wait3A_333 : memref<100000x256xf32, #tpu.memory_space<hbm>>) dst(%dma_wait3A_328 : memref<32x256xf32, #tpu.memory_space<vmem>>)
    %add3A_334 = arith.constant 192 : i32
    %add3A_335 = arith.addi %mul3A_2, %add3A_334 : i32
    %dma_start3A_336 = arith.constant 6 : i32
    %dma_start3A_337 = arith.constant 0 : i32
    %dma_start3A_338 = arith.constant 0 : i32
    %dma_start3A_339 = tpu.memref_slice %arg6[%dma_start3A_336, %dma_start3A_337, %dma_start3A_338] : memref<15x32x256xf32, #tpu.memory_space<vmem>> -> memref<1x32x256xf32, #tpu.memory_space<vmem>>
    %dma_start3A_340 = tpu.memref_squeeze %dma_start3A_339 : memref<1x32x256xf32, #tpu.memory_space<vmem>> -> memref<32x256xf32, #tpu.memory_space<vmem>>
    %dma_start3A_341 = arith.constant 0 : i32
    %dma_start3A_342 = tpu.memref_slice %arg4[%add3A_335, %dma_start3A_341] : memref<16384x256xf32, #tpu.memory_space<hbm>> -> memref<32x256xf32, #tpu.memory_space<hbm>>
    %dma_start3A_343 = arith.constant 0 : i32
    %dma_start3A_344 = tpu.memref_slice %arg4[%add3A_335, %dma_start3A_343] : memref<16384x256xf32, #tpu.memory_space<hbm>> -> memref<32x256xf32, #tpu.memory_space<hbm>>
    %dma_start3A_345 = arith.constant 0 : i32
    %dma_start3A_346 = arith.constant 0 : i32
    %dma_start3A_347 = tpu.memref_slice %arg6[%dma_start3A_336, %dma_start3A_345, %dma_start3A_346] : memref<15x32x256xf32, #tpu.memory_space<vmem>> -> memref<1x32x256xf32, #tpu.memory_space<vmem>>
    %dma_start3A_348 = tpu.memref_squeeze %dma_start3A_347 : memref<1x32x256xf32, #tpu.memory_space<vmem>> -> memref<32x256xf32, #tpu.memory_space<vmem>>
    tpu.enqueue_dma source(%dma_start3A_348 : memref<32x256xf32, #tpu.memory_space<vmem>>) target(%dma_start3A_344 : memref<32x256xf32, #tpu.memory_space<hbm>>) target_semaphore(%arg28 : memref<!tpu.dma_semaphore, #tpu.memory_space<semaphore_mem>>)
    %dma_wait3A_349 = arith.constant 7 : i32
    %dma_wait3A_350 = arith.constant 0 : i32
    %dma_wait3A_351 = arith.constant 0 : i32
    %dma_wait3A_352 = tpu.memref_slice %arg6[%dma_wait3A_349, %dma_wait3A_350, %dma_wait3A_351] : memref<15x32x256xf32, #tpu.memory_space<vmem>> -> memref<1x32x256xf32, #tpu.memory_space<vmem>>
    %dma_wait3A_353 = tpu.memref_squeeze %dma_wait3A_352 : memref<1x32x256xf32, #tpu.memory_space<vmem>> -> memref<32x256xf32, #tpu.memory_space<vmem>>
    %dma_wait3A_354 = arith.constant 224 : i32
    %dma_wait3A_355 = tpu.memref_slice %arg5[%dma_wait3A_354] : memref<512xi32, #tpu.memory_space<vmem>> -> memref<32xi32, #tpu.memory_space<vmem>>
    %dma_wait3A_356 = arith.constant 0 : i32
    %dma_wait3A_357 = arith.constant 0 : i32
    %dma_wait3A_358 = tpu.memref_slice %arg2[%dma_wait3A_356, %dma_wait3A_357] : memref<100000x256xf32, #tpu.memory_space<hbm>> -> memref<100000x256xf32, #tpu.memory_space<hbm>>
    tpu.wait_indirect_dma semaphore(%arg14 : memref<!tpu.dma_semaphore, #tpu.memory_space<semaphore_mem>>) src(%dma_wait3A_358 : memref<100000x256xf32, #tpu.memory_space<hbm>>) dst(%dma_wait3A_353 : memref<32x256xf32, #tpu.memory_space<vmem>>)
    %add3A_359 = arith.constant 224 : i32
    %add3A_360 = arith.addi %mul3A_2, %add3A_359 : i32
    %dma_start3A_361 = arith.constant 7 : i32
    %dma_start3A_362 = arith.constant 0 : i32
    %dma_start3A_363 = arith.constant 0 : i32
    %dma_start3A_364 = tpu.memref_slice %arg6[%dma_start3A_361, %dma_start3A_362, %dma_start3A_363] : memref<15x32x256xf32, #tpu.memory_space<vmem>> -> memref<1x32x256xf32, #tpu.memory_space<vmem>>
    %dma_start3A_365 = tpu.memref_squeeze %dma_start3A_364 : memref<1x32x256xf32, #tpu.memory_space<vmem>> -> memref<32x256xf32, #tpu.memory_space<vmem>>
    %dma_start3A_366 = arith.constant 0 : i32
    %dma_start3A_367 = tpu.memref_slice %arg4[%add3A_360, %dma_start3A_366] : memref<16384x256xf32, #tpu.memory_space<hbm>> -> memref<32x256xf32, #tpu.memory_space<hbm>>
    %dma_start3A_368 = arith.constant 0 : i32
    %dma_start3A_369 = tpu.memref_slice %arg4[%add3A_360, %dma_start3A_368] : memref<16384x256xf32, #tpu.memory_space<hbm>> -> memref<32x256xf32, #tpu.memory_space<hbm>>
    %dma_start3A_370 = arith.constant 0 : i32
    %dma_start3A_371 = arith.constant 0 : i32
    %dma_start3A_372 = tpu.memref_slice %arg6[%dma_start3A_361, %dma_start3A_370, %dma_start3A_371] : memref<15x32x256xf32, #tpu.memory_space<vmem>> -> memref<1x32x256xf32, #tpu.memory_space<vmem>>
    %dma_start3A_373 = tpu.memref_squeeze %dma_start3A_372 : memref<1x32x256xf32, #tpu.memory_space<vmem>> -> memref<32x256xf32, #tpu.memory_space<vmem>>
    tpu.enqueue_dma source(%dma_start3A_373 : memref<32x256xf32, #tpu.memory_space<vmem>>) target(%dma_start3A_369 : memref<32x256xf32, #tpu.memory_space<hbm>>) target_semaphore(%arg29 : memref<!tpu.dma_semaphore, #tpu.memory_space<semaphore_mem>>)
    %dma_wait3A_374 = arith.constant 8 : i32
    %dma_wait3A_375 = arith.constant 0 : i32
    %dma_wait3A_376 = arith.constant 0 : i32
    %dma_wait3A_377 = tpu.memref_slice %arg6[%dma_wait3A_374, %dma_wait3A_375, %dma_wait3A_376] : memref<15x32x256xf32, #tpu.memory_space<vmem>> -> memref<1x32x256xf32, #tpu.memory_space<vmem>>
    %dma_wait3A_378 = tpu.memref_squeeze %dma_wait3A_377 : memref<1x32x256xf32, #tpu.memory_space<vmem>> -> memref<32x256xf32, #tpu.memory_space<vmem>>
    %dma_wait3A_379 = arith.constant 256 : i32
    %dma_wait3A_380 = tpu.memref_slice %arg5[%dma_wait3A_379] : memref<512xi32, #tpu.memory_space<vmem>> -> memref<32xi32, #tpu.memory_space<vmem>>
    %dma_wait3A_381 = arith.constant 0 : i32
    %dma_wait3A_382 = arith.constant 0 : i32
    %dma_wait3A_383 = tpu.memref_slice %arg2[%dma_wait3A_381, %dma_wait3A_382] : memref<100000x256xf32, #tpu.memory_space<hbm>> -> memref<100000x256xf32, #tpu.memory_space<hbm>>
    tpu.wait_indirect_dma semaphore(%arg15 : memref<!tpu.dma_semaphore, #tpu.memory_space<semaphore_mem>>) src(%dma_wait3A_383 : memref<100000x256xf32, #tpu.memory_space<hbm>>) dst(%dma_wait3A_378 : memref<32x256xf32, #tpu.memory_space<vmem>>)
    %add3A_384 = arith.constant 256 : i32
    %add3A_385 = arith.addi %mul3A_2, %add3A_384 : i32
    %dma_start3A_386 = arith.constant 8 : i32
    %dma_start3A_387 = arith.constant 0 : i32
    %dma_start3A_388 = arith.constant 0 : i32
    %dma_start3A_389 = tpu.memref_slice %arg6[%dma_start3A_386, %dma_start3A_387, %dma_start3A_388] : memref<15x32x256xf32, #tpu.memory_space<vmem>> -> memref<1x32x256xf32, #tpu.memory_space<vmem>>
    %dma_start3A_390 = tpu.memref_squeeze %dma_start3A_389 : memref<1x32x256xf32, #tpu.memory_space<vmem>> -> memref<32x256xf32, #tpu.memory_space<vmem>>
    %dma_start3A_391 = arith.constant 0 : i32
    %dma_start3A_392 = tpu.memref_slice %arg4[%add3A_385, %dma_start3A_391] : memref<16384x256xf32, #tpu.memory_space<hbm>> -> memref<32x256xf32, #tpu.memory_space<hbm>>
    %dma_start3A_393 = arith.constant 0 : i32
    %dma_start3A_394 = tpu.memref_slice %arg4[%add3A_385, %dma_start3A_393] : memref<16384x256xf32, #tpu.memory_space<hbm>> -> memref<32x256xf32, #tpu.memory_space<hbm>>
    %dma_start3A_395 = arith.constant 0 : i32
    %dma_start3A_396 = arith.constant 0 : i32
    %dma_start3A_397 = tpu.memref_slice %arg6[%dma_start3A_386, %dma_start3A_395, %dma_start3A_396] : memref<15x32x256xf32, #tpu.memory_space<vmem>> -> memref<1x32x256xf32, #tpu.memory_space<vmem>>
    %dma_start3A_398 = tpu.memref_squeeze %dma_start3A_397 : memref<1x32x256xf32, #tpu.memory_space<vmem>> -> memref<32x256xf32, #tpu.memory_space<vmem>>
    tpu.enqueue_dma source(%dma_start3A_398 : memref<32x256xf32, #tpu.memory_space<vmem>>) target(%dma_start3A_394 : memref<32x256xf32, #tpu.memory_space<hbm>>) target_semaphore(%arg30 : memref<!tpu.dma_semaphore, #tpu.memory_space<semaphore_mem>>)
    %dma_wait3A_399 = arith.constant 9 : i32
    %dma_wait3A_400 = arith.constant 0 : i32
    %dma_wait3A_401 = arith.constant 0 : i32
    %dma_wait3A_402 = tpu.memref_slice %arg6[%dma_wait3A_399, %dma_wait3A_400, %dma_wait3A_401] : memref<15x32x256xf32, #tpu.memory_space<vmem>> -> memref<1x32x256xf32, #tpu.memory_space<vmem>>
    %dma_wait3A_403 = tpu.memref_squeeze %dma_wait3A_402 : memref<1x32x256xf32, #tpu.memory_space<vmem>> -> memref<32x256xf32, #tpu.memory_space<vmem>>
    %dma_wait3A_404 = arith.constant 288 : i32
    %dma_wait3A_405 = tpu.memref_slice %arg5[%dma_wait3A_404] : memref<512xi32, #tpu.memory_space<vmem>> -> memref<32xi32, #tpu.memory_space<vmem>>
    %dma_wait3A_406 = arith.constant 0 : i32
    %dma_wait3A_407 = arith.constant 0 : i32
    %dma_wait3A_408 = tpu.memref_slice %arg2[%dma_wait3A_406, %dma_wait3A_407] : memref<100000x256xf32, #tpu.memory_space<hbm>> -> memref<100000x256xf32, #tpu.memory_space<hbm>>
    tpu.wait_indirect_dma semaphore(%arg16 : memref<!tpu.dma_semaphore, #tpu.memory_space<semaphore_mem>>) src(%dma_wait3A_408 : memref<100000x256xf32, #tpu.memory_space<hbm>>) dst(%dma_wait3A_403 : memref<32x256xf32, #tpu.memory_space<vmem>>)
    %add3A_409 = arith.constant 288 : i32
    %add3A_410 = arith.addi %mul3A_2, %add3A_409 : i32
    %dma_start3A_411 = arith.constant 9 : i32
    %dma_start3A_412 = arith.constant 0 : i32
    %dma_start3A_413 = arith.constant 0 : i32
    %dma_start3A_414 = tpu.memref_slice %arg6[%dma_start3A_411, %dma_start3A_412, %dma_start3A_413] : memref<15x32x256xf32, #tpu.memory_space<vmem>> -> memref<1x32x256xf32, #tpu.memory_space<vmem>>
    %dma_start3A_415 = tpu.memref_squeeze %dma_start3A_414 : memref<1x32x256xf32, #tpu.memory_space<vmem>> -> memref<32x256xf32, #tpu.memory_space<vmem>>
    %dma_start3A_416 = arith.constant 0 : i32
    %dma_start3A_417 = tpu.memref_slice %arg4[%add3A_410, %dma_start3A_416] : memref<16384x256xf32, #tpu.memory_space<hbm>> -> memref<32x256xf32, #tpu.memory_space<hbm>>
    %dma_start3A_418 = arith.constant 0 : i32
    %dma_start3A_419 = tpu.memref_slice %arg4[%add3A_410, %dma_start3A_418] : memref<16384x256xf32, #tpu.memory_space<hbm>> -> memref<32x256xf32, #tpu.memory_space<hbm>>
    %dma_start3A_420 = arith.constant 0 : i32
    %dma_start3A_421 = arith.constant 0 : i32
    %dma_start3A_422 = tpu.memref_slice %arg6[%dma_start3A_411, %dma_start3A_420, %dma_start3A_421] : memref<15x32x256xf32, #tpu.memory_space<vmem>> -> memref<1x32x256xf32, #tpu.memory_space<vmem>>
    %dma_start3A_423 = tpu.memref_squeeze %dma_start3A_422 : memref<1x32x256xf32, #tpu.memory_space<vmem>> -> memref<32x256xf32, #tpu.memory_space<vmem>>
    tpu.enqueue_dma source(%dma_start3A_423 : memref<32x256xf32, #tpu.memory_space<vmem>>) target(%dma_start3A_419 : memref<32x256xf32, #tpu.memory_space<hbm>>) target_semaphore(%arg31 : memref<!tpu.dma_semaphore, #tpu.memory_space<semaphore_mem>>)
    %dma_wait3A_424 = arith.constant 10 : i32
    %dma_wait3A_425 = arith.constant 0 : i32
    %dma_wait3A_426 = arith.constant 0 : i32
    %dma_wait3A_427 = tpu.memref_slice %arg6[%dma_wait3A_424, %dma_wait3A_425, %dma_wait3A_426] : memref<15x32x256xf32, #tpu.memory_space<vmem>> -> memref<1x32x256xf32, #tpu.memory_space<vmem>>
    %dma_wait3A_428 = tpu.memref_squeeze %dma_wait3A_427 : memref<1x32x256xf32, #tpu.memory_space<vmem>> -> memref<32x256xf32, #tpu.memory_space<vmem>>
    %dma_wait3A_429 = arith.constant 320 : i32
    %dma_wait3A_430 = tpu.memref_slice %arg5[%dma_wait3A_429] : memref<512xi32, #tpu.memory_space<vmem>> -> memref<32xi32, #tpu.memory_space<vmem>>
    %dma_wait3A_431 = arith.constant 0 : i32
    %dma_wait3A_432 = arith.constant 0 : i32
    %dma_wait3A_433 = tpu.memref_slice %arg2[%dma_wait3A_431, %dma_wait3A_432] : memref<100000x256xf32, #tpu.memory_space<hbm>> -> memref<100000x256xf32, #tpu.memory_space<hbm>>
    tpu.wait_indirect_dma semaphore(%arg17 : memref<!tpu.dma_semaphore, #tpu.memory_space<semaphore_mem>>) src(%dma_wait3A_433 : memref<100000x256xf32, #tpu.memory_space<hbm>>) dst(%dma_wait3A_428 : memref<32x256xf32, #tpu.memory_space<vmem>>)
    %add3A_434 = arith.constant 320 : i32
    %add3A_435 = arith.addi %mul3A_2, %add3A_434 : i32
    %dma_start3A_436 = arith.constant 10 : i32
    %dma_start3A_437 = arith.constant 0 : i32
    %dma_start3A_438 = arith.constant 0 : i32
    %dma_start3A_439 = tpu.memref_slice %arg6[%dma_start3A_436, %dma_start3A_437, %dma_start3A_438] : memref<15x32x256xf32, #tpu.memory_space<vmem>> -> memref<1x32x256xf32, #tpu.memory_space<vmem>>
    %dma_start3A_440 = tpu.memref_squeeze %dma_start3A_439 : memref<1x32x256xf32, #tpu.memory_space<vmem>> -> memref<32x256xf32, #tpu.memory_space<vmem>>
    %dma_start3A_441 = arith.constant 0 : i32
    %dma_start3A_442 = tpu.memref_slice %arg4[%add3A_435, %dma_start3A_441] : memref<16384x256xf32, #tpu.memory_space<hbm>> -> memref<32x256xf32, #tpu.memory_space<hbm>>
    %dma_start3A_443 = arith.constant 0 : i32
    %dma_start3A_444 = tpu.memref_slice %arg4[%add3A_435, %dma_start3A_443] : memref<16384x256xf32, #tpu.memory_space<hbm>> -> memref<32x256xf32, #tpu.memory_space<hbm>>
    %dma_start3A_445 = arith.constant 0 : i32
    %dma_start3A_446 = arith.constant 0 : i32
    %dma_start3A_447 = tpu.memref_slice %arg6[%dma_start3A_436, %dma_start3A_445, %dma_start3A_446] : memref<15x32x256xf32, #tpu.memory_space<vmem>> -> memref<1x32x256xf32, #tpu.memory_space<vmem>>
    %dma_start3A_448 = tpu.memref_squeeze %dma_start3A_447 : memref<1x32x256xf32, #tpu.memory_space<vmem>> -> memref<32x256xf32, #tpu.memory_space<vmem>>
    tpu.enqueue_dma source(%dma_start3A_448 : memref<32x256xf32, #tpu.memory_space<vmem>>) target(%dma_start3A_444 : memref<32x256xf32, #tpu.memory_space<hbm>>) target_semaphore(%arg32 : memref<!tpu.dma_semaphore, #tpu.memory_space<semaphore_mem>>)
    %dma_wait3A_449 = arith.constant 11 : i32
    %dma_wait3A_450 = arith.constant 0 : i32
    %dma_wait3A_451 = arith.constant 0 : i32
    %dma_wait3A_452 = tpu.memref_slice %arg6[%dma_wait3A_449, %dma_wait3A_450, %dma_wait3A_451] : memref<15x32x256xf32, #tpu.memory_space<vmem>> -> memref<1x32x256xf32, #tpu.memory_space<vmem>>
    %dma_wait3A_453 = tpu.memref_squeeze %dma_wait3A_452 : memref<1x32x256xf32, #tpu.memory_space<vmem>> -> memref<32x256xf32, #tpu.memory_space<vmem>>
    %dma_wait3A_454 = arith.constant 352 : i32
    %dma_wait3A_455 = tpu.memref_slice %arg5[%dma_wait3A_454] : memref<512xi32, #tpu.memory_space<vmem>> -> memref<32xi32, #tpu.memory_space<vmem>>
    %dma_wait3A_456 = arith.constant 0 : i32
    %dma_wait3A_457 = arith.constant 0 : i32
    %dma_wait3A_458 = tpu.memref_slice %arg2[%dma_wait3A_456, %dma_wait3A_457] : memref<100000x256xf32, #tpu.memory_space<hbm>> -> memref<100000x256xf32, #tpu.memory_space<hbm>>
    tpu.wait_indirect_dma semaphore(%arg18 : memref<!tpu.dma_semaphore, #tpu.memory_space<semaphore_mem>>) src(%dma_wait3A_458 : memref<100000x256xf32, #tpu.memory_space<hbm>>) dst(%dma_wait3A_453 : memref<32x256xf32, #tpu.memory_space<vmem>>)
    %add3A_459 = arith.constant 352 : i32
    %add3A_460 = arith.addi %mul3A_2, %add3A_459 : i32
    %dma_start3A_461 = arith.constant 11 : i32
    %dma_start3A_462 = arith.constant 0 : i32
    %dma_start3A_463 = arith.constant 0 : i32
    %dma_start3A_464 = tpu.memref_slice %arg6[%dma_start3A_461, %dma_start3A_462, %dma_start3A_463] : memref<15x32x256xf32, #tpu.memory_space<vmem>> -> memref<1x32x256xf32, #tpu.memory_space<vmem>>
    %dma_start3A_465 = tpu.memref_squeeze %dma_start3A_464 : memref<1x32x256xf32, #tpu.memory_space<vmem>> -> memref<32x256xf32, #tpu.memory_space<vmem>>
    %dma_start3A_466 = arith.constant 0 : i32
    %dma_start3A_467 = tpu.memref_slice %arg4[%add3A_460, %dma_start3A_466] : memref<16384x256xf32, #tpu.memory_space<hbm>> -> memref<32x256xf32, #tpu.memory_space<hbm>>
    %dma_start3A_468 = arith.constant 0 : i32
    %dma_start3A_469 = tpu.memref_slice %arg4[%add3A_460, %dma_start3A_468] : memref<16384x256xf32, #tpu.memory_space<hbm>> -> memref<32x256xf32, #tpu.memory_space<hbm>>
    %dma_start3A_470 = arith.constant 0 : i32
    %dma_start3A_471 = arith.constant 0 : i32
    %dma_start3A_472 = tpu.memref_slice %arg6[%dma_start3A_461, %dma_start3A_470, %dma_start3A_471] : memref<15x32x256xf32, #tpu.memory_space<vmem>> -> memref<1x32x256xf32, #tpu.memory_space<vmem>>
    %dma_start3A_473 = tpu.memref_squeeze %dma_start3A_472 : memref<1x32x256xf32, #tpu.memory_space<vmem>> -> memref<32x256xf32, #tpu.memory_space<vmem>>
    tpu.enqueue_dma source(%dma_start3A_473 : memref<32x256xf32, #tpu.memory_space<vmem>>) target(%dma_start3A_469 : memref<32x256xf32, #tpu.memory_space<hbm>>) target_semaphore(%arg33 : memref<!tpu.dma_semaphore, #tpu.memory_space<semaphore_mem>>)
    %dma_wait3A_474 = arith.constant 12 : i32
    %dma_wait3A_475 = arith.constant 0 : i32
    %dma_wait3A_476 = arith.constant 0 : i32
    %dma_wait3A_477 = tpu.memref_slice %arg6[%dma_wait3A_474, %dma_wait3A_475, %dma_wait3A_476] : memref<15x32x256xf32, #tpu.memory_space<vmem>> -> memref<1x32x256xf32, #tpu.memory_space<vmem>>
    %dma_wait3A_478 = tpu.memref_squeeze %dma_wait3A_477 : memref<1x32x256xf32, #tpu.memory_space<vmem>> -> memref<32x256xf32, #tpu.memory_space<vmem>>
    %dma_wait3A_479 = arith.constant 384 : i32
    %dma_wait3A_480 = tpu.memref_slice %arg5[%dma_wait3A_479] : memref<512xi32, #tpu.memory_space<vmem>> -> memref<32xi32, #tpu.memory_space<vmem>>
    %dma_wait3A_481 = arith.constant 0 : i32
    %dma_wait3A_482 = arith.constant 0 : i32
    %dma_wait3A_483 = tpu.memref_slice %arg2[%dma_wait3A_481, %dma_wait3A_482] : memref<100000x256xf32, #tpu.memory_space<hbm>> -> memref<100000x256xf32, #tpu.memory_space<hbm>>
    tpu.wait_indirect_dma semaphore(%arg19 : memref<!tpu.dma_semaphore, #tpu.memory_space<semaphore_mem>>) src(%dma_wait3A_483 : memref<100000x256xf32, #tpu.memory_space<hbm>>) dst(%dma_wait3A_478 : memref<32x256xf32, #tpu.memory_space<vmem>>)
    %add3A_484 = arith.constant 384 : i32
    %add3A_485 = arith.addi %mul3A_2, %add3A_484 : i32
    %dma_start3A_486 = arith.constant 12 : i32
    %dma_start3A_487 = arith.constant 0 : i32
    %dma_start3A_488 = arith.constant 0 : i32
    %dma_start3A_489 = tpu.memref_slice %arg6[%dma_start3A_486, %dma_start3A_487, %dma_start3A_488] : memref<15x32x256xf32, #tpu.memory_space<vmem>> -> memref<1x32x256xf32, #tpu.memory_space<vmem>>
    %dma_start3A_490 = tpu.memref_squeeze %dma_start3A_489 : memref<1x32x256xf32, #tpu.memory_space<vmem>> -> memref<32x256xf32, #tpu.memory_space<vmem>>
    %dma_start3A_491 = arith.constant 0 : i32
    %dma_start3A_492 = tpu.memref_slice %arg4[%add3A_485, %dma_start3A_491] : memref<16384x256xf32, #tpu.memory_space<hbm>> -> memref<32x256xf32, #tpu.memory_space<hbm>>
    %dma_start3A_493 = arith.constant 0 : i32
    %dma_start3A_494 = tpu.memref_slice %arg4[%add3A_485, %dma_start3A_493] : memref<16384x256xf32, #tpu.memory_space<hbm>> -> memref<32x256xf32, #tpu.memory_space<hbm>>
    %dma_start3A_495 = arith.constant 0 : i32
    %dma_start3A_496 = arith.constant 0 : i32
    %dma_start3A_497 = tpu.memref_slice %arg6[%dma_start3A_486, %dma_start3A_495, %dma_start3A_496] : memref<15x32x256xf32, #tpu.memory_space<vmem>> -> memref<1x32x256xf32, #tpu.memory_space<vmem>>
    %dma_start3A_498 = tpu.memref_squeeze %dma_start3A_497 : memref<1x32x256xf32, #tpu.memory_space<vmem>> -> memref<32x256xf32, #tpu.memory_space<vmem>>
    tpu.enqueue_dma source(%dma_start3A_498 : memref<32x256xf32, #tpu.memory_space<vmem>>) target(%dma_start3A_494 : memref<32x256xf32, #tpu.memory_space<hbm>>) target_semaphore(%arg34 : memref<!tpu.dma_semaphore, #tpu.memory_space<semaphore_mem>>)
    %dma_wait3A_499 = arith.constant 13 : i32
    %dma_wait3A_500 = arith.constant 0 : i32
    %dma_wait3A_501 = arith.constant 0 : i32
    %dma_wait3A_502 = tpu.memref_slice %arg6[%dma_wait3A_499, %dma_wait3A_500, %dma_wait3A_501] : memref<15x32x256xf32, #tpu.memory_space<vmem>> -> memref<1x32x256xf32, #tpu.memory_space<vmem>>
    %dma_wait3A_503 = tpu.memref_squeeze %dma_wait3A_502 : memref<1x32x256xf32, #tpu.memory_space<vmem>> -> memref<32x256xf32, #tpu.memory_space<vmem>>
    %dma_wait3A_504 = arith.constant 416 : i32
    %dma_wait3A_505 = tpu.memref_slice %arg5[%dma_wait3A_504] : memref<512xi32, #tpu.memory_space<vmem>> -> memref<32xi32, #tpu.memory_space<vmem>>
    %dma_wait3A_506 = arith.constant 0 : i32
    %dma_wait3A_507 = arith.constant 0 : i32
    %dma_wait3A_508 = tpu.memref_slice %arg2[%dma_wait3A_506, %dma_wait3A_507] : memref<100000x256xf32, #tpu.memory_space<hbm>> -> memref<100000x256xf32, #tpu.memory_space<hbm>>
    tpu.wait_indirect_dma semaphore(%arg20 : memref<!tpu.dma_semaphore, #tpu.memory_space<semaphore_mem>>) src(%dma_wait3A_508 : memref<100000x256xf32, #tpu.memory_space<hbm>>) dst(%dma_wait3A_503 : memref<32x256xf32, #tpu.memory_space<vmem>>)
    %add3A_509 = arith.constant 416 : i32
    %add3A_510 = arith.addi %mul3A_2, %add3A_509 : i32
    %dma_start3A_511 = arith.constant 13 : i32
    %dma_start3A_512 = arith.constant 0 : i32
    %dma_start3A_513 = arith.constant 0 : i32
    %dma_start3A_514 = tpu.memref_slice %arg6[%dma_start3A_511, %dma_start3A_512, %dma_start3A_513] : memref<15x32x256xf32, #tpu.memory_space<vmem>> -> memref<1x32x256xf32, #tpu.memory_space<vmem>>
    %dma_start3A_515 = tpu.memref_squeeze %dma_start3A_514 : memref<1x32x256xf32, #tpu.memory_space<vmem>> -> memref<32x256xf32, #tpu.memory_space<vmem>>
    %dma_start3A_516 = arith.constant 0 : i32
    %dma_start3A_517 = tpu.memref_slice %arg4[%add3A_510, %dma_start3A_516] : memref<16384x256xf32, #tpu.memory_space<hbm>> -> memref<32x256xf32, #tpu.memory_space<hbm>>
    %dma_start3A_518 = arith.constant 0 : i32
    %dma_start3A_519 = tpu.memref_slice %arg4[%add3A_510, %dma_start3A_518] : memref<16384x256xf32, #tpu.memory_space<hbm>> -> memref<32x256xf32, #tpu.memory_space<hbm>>
    %dma_start3A_520 = arith.constant 0 : i32
    %dma_start3A_521 = arith.constant 0 : i32
    %dma_start3A_522 = tpu.memref_slice %arg6[%dma_start3A_511, %dma_start3A_520, %dma_start3A_521] : memref<15x32x256xf32, #tpu.memory_space<vmem>> -> memref<1x32x256xf32, #tpu.memory_space<vmem>>
    %dma_start3A_523 = tpu.memref_squeeze %dma_start3A_522 : memref<1x32x256xf32, #tpu.memory_space<vmem>> -> memref<32x256xf32, #tpu.memory_space<vmem>>
    tpu.enqueue_dma source(%dma_start3A_523 : memref<32x256xf32, #tpu.memory_space<vmem>>) target(%dma_start3A_519 : memref<32x256xf32, #tpu.memory_space<hbm>>) target_semaphore(%arg35 : memref<!tpu.dma_semaphore, #tpu.memory_space<semaphore_mem>>)
    %dma_wait3A_524 = arith.constant 14 : i32
    %dma_wait3A_525 = arith.constant 0 : i32
    %dma_wait3A_526 = arith.constant 0 : i32
    %dma_wait3A_527 = tpu.memref_slice %arg6[%dma_wait3A_524, %dma_wait3A_525, %dma_wait3A_526] : memref<15x32x256xf32, #tpu.memory_space<vmem>> -> memref<1x32x256xf32, #tpu.memory_space<vmem>>
    %dma_wait3A_528 = tpu.memref_squeeze %dma_wait3A_527 : memref<1x32x256xf32, #tpu.memory_space<vmem>> -> memref<32x256xf32, #tpu.memory_space<vmem>>
    %dma_wait3A_529 = arith.constant 448 : i32
    %dma_wait3A_530 = tpu.memref_slice %arg5[%dma_wait3A_529] : memref<512xi32, #tpu.memory_space<vmem>> -> memref<32xi32, #tpu.memory_space<vmem>>
    %dma_wait3A_531 = arith.constant 0 : i32
    %dma_wait3A_532 = arith.constant 0 : i32
    %dma_wait3A_533 = tpu.memref_slice %arg2[%dma_wait3A_531, %dma_wait3A_532] : memref<100000x256xf32, #tpu.memory_space<hbm>> -> memref<100000x256xf32, #tpu.memory_space<hbm>>
    tpu.wait_indirect_dma semaphore(%arg21 : memref<!tpu.dma_semaphore, #tpu.memory_space<semaphore_mem>>) src(%dma_wait3A_533 : memref<100000x256xf32, #tpu.memory_space<hbm>>) dst(%dma_wait3A_528 : memref<32x256xf32, #tpu.memory_space<vmem>>)
    %add3A_534 = arith.constant 448 : i32
    %add3A_535 = arith.addi %mul3A_2, %add3A_534 : i32
    %dma_start3A_536 = arith.constant 14 : i32
    %dma_start3A_537 = arith.constant 0 : i32
    %dma_start3A_538 = arith.constant 0 : i32
    %dma_start3A_539 = tpu.memref_slice %arg6[%dma_start3A_536, %dma_start3A_537, %dma_start3A_538] : memref<15x32x256xf32, #tpu.memory_space<vmem>> -> memref<1x32x256xf32, #tpu.memory_space<vmem>>
    %dma_start3A_540 = tpu.memref_squeeze %dma_start3A_539 : memref<1x32x256xf32, #tpu.memory_space<vmem>> -> memref<32x256xf32, #tpu.memory_space<vmem>>
    %dma_start3A_541 = arith.constant 0 : i32
    %dma_start3A_542 = tpu.memref_slice %arg4[%add3A_535, %dma_start3A_541] : memref<16384x256xf32, #tpu.memory_space<hbm>> -> memref<32x256xf32, #tpu.memory_space<hbm>>
    %dma_start3A_543 = arith.constant 0 : i32
    %dma_start3A_544 = tpu.memref_slice %arg4[%add3A_535, %dma_start3A_543] : memref<16384x256xf32, #tpu.memory_space<hbm>> -> memref<32x256xf32, #tpu.memory_space<hbm>>
    %dma_start3A_545 = arith.constant 0 : i32
    %dma_start3A_546 = arith.constant 0 : i32
    %dma_start3A_547 = tpu.memref_slice %arg6[%dma_start3A_536, %dma_start3A_545, %dma_start3A_546] : memref<15x32x256xf32, #tpu.memory_space<vmem>> -> memref<1x32x256xf32, #tpu.memory_space<vmem>>
    %dma_start3A_548 = tpu.memref_squeeze %dma_start3A_547 : memref<1x32x256xf32, #tpu.memory_space<vmem>> -> memref<32x256xf32, #tpu.memory_space<vmem>>
    tpu.enqueue_dma source(%dma_start3A_548 : memref<32x256xf32, #tpu.memory_space<vmem>>) target(%dma_start3A_544 : memref<32x256xf32, #tpu.memory_space<hbm>>) target_semaphore(%arg36 : memref<!tpu.dma_semaphore, #tpu.memory_space<semaphore_mem>>)
    %dma_wait3A_549 = arith.constant 0 : i32
    %dma_wait3A_550 = arith.constant 0 : i32
    %dma_wait3A_551 = arith.constant 0 : i32
    %dma_wait3A_552 = tpu.memref_slice %arg6[%dma_wait3A_549, %dma_wait3A_550, %dma_wait3A_551] : memref<15x32x256xf32, #tpu.memory_space<vmem>> -> memref<1x32x256xf32, #tpu.memory_space<vmem>>
    %dma_wait3A_553 = tpu.memref_squeeze %dma_wait3A_552 : memref<1x32x256xf32, #tpu.memory_space<vmem>> -> memref<32x256xf32, #tpu.memory_space<vmem>>
    %dma_wait3A_554 = arith.constant 480 : i32
    %dma_wait3A_555 = tpu.memref_slice %arg5[%dma_wait3A_554] : memref<512xi32, #tpu.memory_space<vmem>> -> memref<32xi32, #tpu.memory_space<vmem>>
    %dma_wait3A_556 = arith.constant 0 : i32
    %dma_wait3A_557 = arith.constant 0 : i32
    %dma_wait3A_558 = tpu.memref_slice %arg2[%dma_wait3A_556, %dma_wait3A_557] : memref<100000x256xf32, #tpu.memory_space<hbm>> -> memref<100000x256xf32, #tpu.memory_space<hbm>>
    tpu.wait_indirect_dma semaphore(%arg7 : memref<!tpu.dma_semaphore, #tpu.memory_space<semaphore_mem>>) src(%dma_wait3A_558 : memref<100000x256xf32, #tpu.memory_space<hbm>>) dst(%dma_wait3A_553 : memref<32x256xf32, #tpu.memory_space<vmem>>)
    %add3A_559 = arith.constant 480 : i32
    %add3A_560 = arith.addi %mul3A_2, %add3A_559 : i32
    %dma_start3A_561 = arith.constant 0 : i32
    %dma_start3A_562 = arith.constant 0 : i32
    %dma_start3A_563 = arith.constant 0 : i32
    %dma_start3A_564 = tpu.memref_slice %arg6[%dma_start3A_561, %dma_start3A_562, %dma_start3A_563] : memref<15x32x256xf32, #tpu.memory_space<vmem>> -> memref<1x32x256xf32, #tpu.memory_space<vmem>>
    %dma_start3A_565 = tpu.memref_squeeze %dma_start3A_564 : memref<1x32x256xf32, #tpu.memory_space<vmem>> -> memref<32x256xf32, #tpu.memory_space<vmem>>
    %dma_start3A_566 = arith.constant 0 : i32
    %dma_start3A_567 = tpu.memref_slice %arg4[%add3A_560, %dma_start3A_566] : memref<16384x256xf32, #tpu.memory_space<hbm>> -> memref<32x256xf32, #tpu.memory_space<hbm>>
    %dma_start3A_568 = arith.constant 0 : i32
    %dma_start3A_569 = tpu.memref_slice %arg4[%add3A_560, %dma_start3A_568] : memref<16384x256xf32, #tpu.memory_space<hbm>> -> memref<32x256xf32, #tpu.memory_space<hbm>>
    %dma_start3A_570 = arith.constant 0 : i32
    %dma_start3A_571 = arith.constant 0 : i32
    %dma_start3A_572 = tpu.memref_slice %arg6[%dma_start3A_561, %dma_start3A_570, %dma_start3A_571] : memref<15x32x256xf32, #tpu.memory_space<vmem>> -> memref<1x32x256xf32, #tpu.memory_space<vmem>>
    %dma_start3A_573 = tpu.memref_squeeze %dma_start3A_572 : memref<1x32x256xf32, #tpu.memory_space<vmem>> -> memref<32x256xf32, #tpu.memory_space<vmem>>
    tpu.enqueue_dma source(%dma_start3A_573 : memref<32x256xf32, #tpu.memory_space<vmem>>) target(%dma_start3A_569 : memref<32x256xf32, #tpu.memory_space<hbm>>) target_semaphore(%arg22 : memref<!tpu.dma_semaphore, #tpu.memory_space<semaphore_mem>>)
    %dma_wait3A_574 = arith.constant 1 : i32
    %dma_wait3A_575 = arith.constant 0 : i32
    %dma_wait3A_576 = arith.constant 0 : i32
    %dma_wait3A_577 = tpu.memref_slice %arg6[%dma_wait3A_574, %dma_wait3A_575, %dma_wait3A_576] : memref<15x32x256xf32, #tpu.memory_space<vmem>> -> memref<1x32x256xf32, #tpu.memory_space<vmem>>
    %dma_wait3A_578 = tpu.memref_squeeze %dma_wait3A_577 : memref<1x32x256xf32, #tpu.memory_space<vmem>> -> memref<32x256xf32, #tpu.memory_space<vmem>>
    %dma_wait3A_579 = arith.constant 0 : i32
    %dma_wait3A_580 = tpu.memref_slice %arg4[%add3A_210, %dma_wait3A_579] : memref<16384x256xf32, #tpu.memory_space<hbm>> -> memref<32x256xf32, #tpu.memory_space<hbm>>
    %dma_wait3A_581 = arith.constant 0 : i32
    %dma_wait3A_582 = tpu.memref_slice %arg4[%add3A_210, %dma_wait3A_581] : memref<16384x256xf32, #tpu.memory_space<hbm>> -> memref<32x256xf32, #tpu.memory_space<hbm>>
    %dma_wait3A_583 = arith.constant 0 : i32
    %dma_wait3A_584 = arith.constant 0 : i32
    %dma_wait3A_585 = tpu.memref_slice %arg6[%dma_wait3A_574, %dma_wait3A_583, %dma_wait3A_584] : memref<15x32x256xf32, #tpu.memory_space<vmem>> -> memref<1x32x256xf32, #tpu.memory_space<vmem>>
    %dma_wait3A_586 = tpu.memref_squeeze %dma_wait3A_585 : memref<1x32x256xf32, #tpu.memory_space<vmem>> -> memref<32x256xf32, #tpu.memory_space<vmem>>
    tpu.wait_dma2 semaphore(%arg23 : memref<!tpu.dma_semaphore, #tpu.memory_space<semaphore_mem>>) src(%dma_wait3A_586 : memref<32x256xf32, #tpu.memory_space<vmem>>) dst(%dma_wait3A_582 : memref<32x256xf32, #tpu.memory_space<hbm>>)
    %dma_wait3A_587 = arith.constant 2 : i32
    %dma_wait3A_588 = arith.constant 0 : i32
    %dma_wait3A_589 = arith.constant 0 : i32
    %dma_wait3A_590 = tpu.memref_slice %arg6[%dma_wait3A_587, %dma_wait3A_588, %dma_wait3A_589] : memref<15x32x256xf32, #tpu.memory_space<vmem>> -> memref<1x32x256xf32, #tpu.memory_space<vmem>>
    %dma_wait3A_591 = tpu.memref_squeeze %dma_wait3A_590 : memref<1x32x256xf32, #tpu.memory_space<vmem>> -> memref<32x256xf32, #tpu.memory_space<vmem>>
    %dma_wait3A_592 = arith.constant 0 : i32
    %dma_wait3A_593 = tpu.memref_slice %arg4[%add3A_235, %dma_wait3A_592] : memref<16384x256xf32, #tpu.memory_space<hbm>> -> memref<32x256xf32, #tpu.memory_space<hbm>>
    %dma_wait3A_594 = arith.constant 0 : i32
    %dma_wait3A_595 = tpu.memref_slice %arg4[%add3A_235, %dma_wait3A_594] : memref<16384x256xf32, #tpu.memory_space<hbm>> -> memref<32x256xf32, #tpu.memory_space<hbm>>
    %dma_wait3A_596 = arith.constant 0 : i32
    %dma_wait3A_597 = arith.constant 0 : i32
    %dma_wait3A_598 = tpu.memref_slice %arg6[%dma_wait3A_587, %dma_wait3A_596, %dma_wait3A_597] : memref<15x32x256xf32, #tpu.memory_space<vmem>> -> memref<1x32x256xf32, #tpu.memory_space<vmem>>
    %dma_wait3A_599 = tpu.memref_squeeze %dma_wait3A_598 : memref<1x32x256xf32, #tpu.memory_space<vmem>> -> memref<32x256xf32, #tpu.memory_space<vmem>>
    tpu.wait_dma2 semaphore(%arg24 : memref<!tpu.dma_semaphore, #tpu.memory_space<semaphore_mem>>) src(%dma_wait3A_599 : memref<32x256xf32, #tpu.memory_space<vmem>>) dst(%dma_wait3A_595 : memref<32x256xf32, #tpu.memory_space<hbm>>)
    %dma_wait3A_600 = arith.constant 3 : i32
    %dma_wait3A_601 = arith.constant 0 : i32
    %dma_wait3A_602 = arith.constant 0 : i32
    %dma_wait3A_603 = tpu.memref_slice %arg6[%dma_wait3A_600, %dma_wait3A_601, %dma_wait3A_602] : memref<15x32x256xf32, #tpu.memory_space<vmem>> -> memref<1x32x256xf32, #tpu.memory_space<vmem>>
    %dma_wait3A_604 = tpu.memref_squeeze %dma_wait3A_603 : memref<1x32x256xf32, #tpu.memory_space<vmem>> -> memref<32x256xf32, #tpu.memory_space<vmem>>
    %dma_wait3A_605 = arith.constant 0 : i32
    %dma_wait3A_606 = tpu.memref_slice %arg4[%add3A_260, %dma_wait3A_605] : memref<16384x256xf32, #tpu.memory_space<hbm>> -> memref<32x256xf32, #tpu.memory_space<hbm>>
    %dma_wait3A_607 = arith.constant 0 : i32
    %dma_wait3A_608 = tpu.memref_slice %arg4[%add3A_260, %dma_wait3A_607] : memref<16384x256xf32, #tpu.memory_space<hbm>> -> memref<32x256xf32, #tpu.memory_space<hbm>>
    %dma_wait3A_609 = arith.constant 0 : i32
    %dma_wait3A_610 = arith.constant 0 : i32
    %dma_wait3A_611 = tpu.memref_slice %arg6[%dma_wait3A_600, %dma_wait3A_609, %dma_wait3A_610] : memref<15x32x256xf32, #tpu.memory_space<vmem>> -> memref<1x32x256xf32, #tpu.memory_space<vmem>>
    %dma_wait3A_612 = tpu.memref_squeeze %dma_wait3A_611 : memref<1x32x256xf32, #tpu.memory_space<vmem>> -> memref<32x256xf32, #tpu.memory_space<vmem>>
    tpu.wait_dma2 semaphore(%arg25 : memref<!tpu.dma_semaphore, #tpu.memory_space<semaphore_mem>>) src(%dma_wait3A_612 : memref<32x256xf32, #tpu.memory_space<vmem>>) dst(%dma_wait3A_608 : memref<32x256xf32, #tpu.memory_space<hbm>>)
    %dma_wait3A_613 = arith.constant 4 : i32
    %dma_wait3A_614 = arith.constant 0 : i32
    %dma_wait3A_615 = arith.constant 0 : i32
    %dma_wait3A_616 = tpu.memref_slice %arg6[%dma_wait3A_613, %dma_wait3A_614, %dma_wait3A_615] : memref<15x32x256xf32, #tpu.memory_space<vmem>> -> memref<1x32x256xf32, #tpu.memory_space<vmem>>
    %dma_wait3A_617 = tpu.memref_squeeze %dma_wait3A_616 : memref<1x32x256xf32, #tpu.memory_space<vmem>> -> memref<32x256xf32, #tpu.memory_space<vmem>>
    %dma_wait3A_618 = arith.constant 0 : i32
    %dma_wait3A_619 = tpu.memref_slice %arg4[%add3A_285, %dma_wait3A_618] : memref<16384x256xf32, #tpu.memory_space<hbm>> -> memref<32x256xf32, #tpu.memory_space<hbm>>
    %dma_wait3A_620 = arith.constant 0 : i32
    %dma_wait3A_621 = tpu.memref_slice %arg4[%add3A_285, %dma_wait3A_620] : memref<16384x256xf32, #tpu.memory_space<hbm>> -> memref<32x256xf32, #tpu.memory_space<hbm>>
    %dma_wait3A_622 = arith.constant 0 : i32
    %dma_wait3A_623 = arith.constant 0 : i32
    %dma_wait3A_624 = tpu.memref_slice %arg6[%dma_wait3A_613, %dma_wait3A_622, %dma_wait3A_623] : memref<15x32x256xf32, #tpu.memory_space<vmem>> -> memref<1x32x256xf32, #tpu.memory_space<vmem>>
    %dma_wait3A_625 = tpu.memref_squeeze %dma_wait3A_624 : memref<1x32x256xf32, #tpu.memory_space<vmem>> -> memref<32x256xf32, #tpu.memory_space<vmem>>
    tpu.wait_dma2 semaphore(%arg26 : memref<!tpu.dma_semaphore, #tpu.memory_space<semaphore_mem>>) src(%dma_wait3A_625 : memref<32x256xf32, #tpu.memory_space<vmem>>) dst(%dma_wait3A_621 : memref<32x256xf32, #tpu.memory_space<hbm>>)
    %dma_wait3A_626 = arith.constant 5 : i32
    %dma_wait3A_627 = arith.constant 0 : i32
    %dma_wait3A_628 = arith.constant 0 : i32
    %dma_wait3A_629 = tpu.memref_slice %arg6[%dma_wait3A_626, %dma_wait3A_627, %dma_wait3A_628] : memref<15x32x256xf32, #tpu.memory_space<vmem>> -> memref<1x32x256xf32, #tpu.memory_space<vmem>>
    %dma_wait3A_630 = tpu.memref_squeeze %dma_wait3A_629 : memref<1x32x256xf32, #tpu.memory_space<vmem>> -> memref<32x256xf32, #tpu.memory_space<vmem>>
    %dma_wait3A_631 = arith.constant 0 : i32
    %dma_wait3A_632 = tpu.memref_slice %arg4[%add3A_310, %dma_wait3A_631] : memref<16384x256xf32, #tpu.memory_space<hbm>> -> memref<32x256xf32, #tpu.memory_space<hbm>>
    %dma_wait3A_633 = arith.constant 0 : i32
    %dma_wait3A_634 = tpu.memref_slice %arg4[%add3A_310, %dma_wait3A_633] : memref<16384x256xf32, #tpu.memory_space<hbm>> -> memref<32x256xf32, #tpu.memory_space<hbm>>
    %dma_wait3A_635 = arith.constant 0 : i32
    %dma_wait3A_636 = arith.constant 0 : i32
    %dma_wait3A_637 = tpu.memref_slice %arg6[%dma_wait3A_626, %dma_wait3A_635, %dma_wait3A_636] : memref<15x32x256xf32, #tpu.memory_space<vmem>> -> memref<1x32x256xf32, #tpu.memory_space<vmem>>
    %dma_wait3A_638 = tpu.memref_squeeze %dma_wait3A_637 : memref<1x32x256xf32, #tpu.memory_space<vmem>> -> memref<32x256xf32, #tpu.memory_space<vmem>>
    tpu.wait_dma2 semaphore(%arg27 : memref<!tpu.dma_semaphore, #tpu.memory_space<semaphore_mem>>) src(%dma_wait3A_638 : memref<32x256xf32, #tpu.memory_space<vmem>>) dst(%dma_wait3A_634 : memref<32x256xf32, #tpu.memory_space<hbm>>)
    %dma_wait3A_639 = arith.constant 6 : i32
    %dma_wait3A_640 = arith.constant 0 : i32
    %dma_wait3A_641 = arith.constant 0 : i32
    %dma_wait3A_642 = tpu.memref_slice %arg6[%dma_wait3A_639, %dma_wait3A_640, %dma_wait3A_641] : memref<15x32x256xf32, #tpu.memory_space<vmem>> -> memref<1x32x256xf32, #tpu.memory_space<vmem>>
    %dma_wait3A_643 = tpu.memref_squeeze %dma_wait3A_642 : memref<1x32x256xf32, #tpu.memory_space<vmem>> -> memref<32x256xf32, #tpu.memory_space<vmem>>
    %dma_wait3A_644 = arith.constant 0 : i32
    %dma_wait3A_645 = tpu.memref_slice %arg4[%add3A_335, %dma_wait3A_644] : memref<16384x256xf32, #tpu.memory_space<hbm>> -> memref<32x256xf32, #tpu.memory_space<hbm>>
    %dma_wait3A_646 = arith.constant 0 : i32
    %dma_wait3A_647 = tpu.memref_slice %arg4[%add3A_335, %dma_wait3A_646] : memref<16384x256xf32, #tpu.memory_space<hbm>> -> memref<32x256xf32, #tpu.memory_space<hbm>>
    %dma_wait3A_648 = arith.constant 0 : i32
    %dma_wait3A_649 = arith.constant 0 : i32
    %dma_wait3A_650 = tpu.memref_slice %arg6[%dma_wait3A_639, %dma_wait3A_648, %dma_wait3A_649] : memref<15x32x256xf32, #tpu.memory_space<vmem>> -> memref<1x32x256xf32, #tpu.memory_space<vmem>>
    %dma_wait3A_651 = tpu.memref_squeeze %dma_wait3A_650 : memref<1x32x256xf32, #tpu.memory_space<vmem>> -> memref<32x256xf32, #tpu.memory_space<vmem>>
    tpu.wait_dma2 semaphore(%arg28 : memref<!tpu.dma_semaphore, #tpu.memory_space<semaphore_mem>>) src(%dma_wait3A_651 : memref<32x256xf32, #tpu.memory_space<vmem>>) dst(%dma_wait3A_647 : memref<32x256xf32, #tpu.memory_space<hbm>>)
    %dma_wait3A_652 = arith.constant 7 : i32
    %dma_wait3A_653 = arith.constant 0 : i32
    %dma_wait3A_654 = arith.constant 0 : i32
    %dma_wait3A_655 = tpu.memref_slice %arg6[%dma_wait3A_652, %dma_wait3A_653, %dma_wait3A_654] : memref<15x32x256xf32, #tpu.memory_space<vmem>> -> memref<1x32x256xf32, #tpu.memory_space<vmem>>
    %dma_wait3A_656 = tpu.memref_squeeze %dma_wait3A_655 : memref<1x32x256xf32, #tpu.memory_space<vmem>> -> memref<32x256xf32, #tpu.memory_space<vmem>>
    %dma_wait3A_657 = arith.constant 0 : i32
    %dma_wait3A_658 = tpu.memref_slice %arg4[%add3A_360, %dma_wait3A_657] : memref<16384x256xf32, #tpu.memory_space<hbm>> -> memref<32x256xf32, #tpu.memory_space<hbm>>
    %dma_wait3A_659 = arith.constant 0 : i32
    %dma_wait3A_660 = tpu.memref_slice %arg4[%add3A_360, %dma_wait3A_659] : memref<16384x256xf32, #tpu.memory_space<hbm>> -> memref<32x256xf32, #tpu.memory_space<hbm>>
    %dma_wait3A_661 = arith.constant 0 : i32
    %dma_wait3A_662 = arith.constant 0 : i32
    %dma_wait3A_663 = tpu.memref_slice %arg6[%dma_wait3A_652, %dma_wait3A_661, %dma_wait3A_662] : memref<15x32x256xf32, #tpu.memory_space<vmem>> -> memref<1x32x256xf32, #tpu.memory_space<vmem>>
    %dma_wait3A_664 = tpu.memref_squeeze %dma_wait3A_663 : memref<1x32x256xf32, #tpu.memory_space<vmem>> -> memref<32x256xf32, #tpu.memory_space<vmem>>
    tpu.wait_dma2 semaphore(%arg29 : memref<!tpu.dma_semaphore, #tpu.memory_space<semaphore_mem>>) src(%dma_wait3A_664 : memref<32x256xf32, #tpu.memory_space<vmem>>) dst(%dma_wait3A_660 : memref<32x256xf32, #tpu.memory_space<hbm>>)
    %dma_wait3A_665 = arith.constant 8 : i32
    %dma_wait3A_666 = arith.constant 0 : i32
    %dma_wait3A_667 = arith.constant 0 : i32
    %dma_wait3A_668 = tpu.memref_slice %arg6[%dma_wait3A_665, %dma_wait3A_666, %dma_wait3A_667] : memref<15x32x256xf32, #tpu.memory_space<vmem>> -> memref<1x32x256xf32, #tpu.memory_space<vmem>>
    %dma_wait3A_669 = tpu.memref_squeeze %dma_wait3A_668 : memref<1x32x256xf32, #tpu.memory_space<vmem>> -> memref<32x256xf32, #tpu.memory_space<vmem>>
    %dma_wait3A_670 = arith.constant 0 : i32
    %dma_wait3A_671 = tpu.memref_slice %arg4[%add3A_385, %dma_wait3A_670] : memref<16384x256xf32, #tpu.memory_space<hbm>> -> memref<32x256xf32, #tpu.memory_space<hbm>>
    %dma_wait3A_672 = arith.constant 0 : i32
    %dma_wait3A_673 = tpu.memref_slice %arg4[%add3A_385, %dma_wait3A_672] : memref<16384x256xf32, #tpu.memory_space<hbm>> -> memref<32x256xf32, #tpu.memory_space<hbm>>
    %dma_wait3A_674 = arith.constant 0 : i32
    %dma_wait3A_675 = arith.constant 0 : i32
    %dma_wait3A_676 = tpu.memref_slice %arg6[%dma_wait3A_665, %dma_wait3A_674, %dma_wait3A_675] : memref<15x32x256xf32, #tpu.memory_space<vmem>> -> memref<1x32x256xf32, #tpu.memory_space<vmem>>
    %dma_wait3A_677 = tpu.memref_squeeze %dma_wait3A_676 : memref<1x32x256xf32, #tpu.memory_space<vmem>> -> memref<32x256xf32, #tpu.memory_space<vmem>>
    tpu.wait_dma2 semaphore(%arg30 : memref<!tpu.dma_semaphore, #tpu.memory_space<semaphore_mem>>) src(%dma_wait3A_677 : memref<32x256xf32, #tpu.memory_space<vmem>>) dst(%dma_wait3A_673 : memref<32x256xf32, #tpu.memory_space<hbm>>)
    %dma_wait3A_678 = arith.constant 9 : i32
    %dma_wait3A_679 = arith.constant 0 : i32
    %dma_wait3A_680 = arith.constant 0 : i32
    %dma_wait3A_681 = tpu.memref_slice %arg6[%dma_wait3A_678, %dma_wait3A_679, %dma_wait3A_680] : memref<15x32x256xf32, #tpu.memory_space<vmem>> -> memref<1x32x256xf32, #tpu.memory_space<vmem>>
    %dma_wait3A_682 = tpu.memref_squeeze %dma_wait3A_681 : memref<1x32x256xf32, #tpu.memory_space<vmem>> -> memref<32x256xf32, #tpu.memory_space<vmem>>
    %dma_wait3A_683 = arith.constant 0 : i32
    %dma_wait3A_684 = tpu.memref_slice %arg4[%add3A_410, %dma_wait3A_683] : memref<16384x256xf32, #tpu.memory_space<hbm>> -> memref<32x256xf32, #tpu.memory_space<hbm>>
    %dma_wait3A_685 = arith.constant 0 : i32
    %dma_wait3A_686 = tpu.memref_slice %arg4[%add3A_410, %dma_wait3A_685] : memref<16384x256xf32, #tpu.memory_space<hbm>> -> memref<32x256xf32, #tpu.memory_space<hbm>>
    %dma_wait3A_687 = arith.constant 0 : i32
    %dma_wait3A_688 = arith.constant 0 : i32
    %dma_wait3A_689 = tpu.memref_slice %arg6[%dma_wait3A_678, %dma_wait3A_687, %dma_wait3A_688] : memref<15x32x256xf32, #tpu.memory_space<vmem>> -> memref<1x32x256xf32, #tpu.memory_space<vmem>>
    %dma_wait3A_690 = tpu.memref_squeeze %dma_wait3A_689 : memref<1x32x256xf32, #tpu.memory_space<vmem>> -> memref<32x256xf32, #tpu.memory_space<vmem>>
    tpu.wait_dma2 semaphore(%arg31 : memref<!tpu.dma_semaphore, #tpu.memory_space<semaphore_mem>>) src(%dma_wait3A_690 : memref<32x256xf32, #tpu.memory_space<vmem>>) dst(%dma_wait3A_686 : memref<32x256xf32, #tpu.memory_space<hbm>>)
    %dma_wait3A_691 = arith.constant 10 : i32
    %dma_wait3A_692 = arith.constant 0 : i32
    %dma_wait3A_693 = arith.constant 0 : i32
    %dma_wait3A_694 = tpu.memref_slice %arg6[%dma_wait3A_691, %dma_wait3A_692, %dma_wait3A_693] : memref<15x32x256xf32, #tpu.memory_space<vmem>> -> memref<1x32x256xf32, #tpu.memory_space<vmem>>
    %dma_wait3A_695 = tpu.memref_squeeze %dma_wait3A_694 : memref<1x32x256xf32, #tpu.memory_space<vmem>> -> memref<32x256xf32, #tpu.memory_space<vmem>>
    %dma_wait3A_696 = arith.constant 0 : i32
    %dma_wait3A_697 = tpu.memref_slice %arg4[%add3A_435, %dma_wait3A_696] : memref<16384x256xf32, #tpu.memory_space<hbm>> -> memref<32x256xf32, #tpu.memory_space<hbm>>
    %dma_wait3A_698 = arith.constant 0 : i32
    %dma_wait3A_699 = tpu.memref_slice %arg4[%add3A_435, %dma_wait3A_698] : memref<16384x256xf32, #tpu.memory_space<hbm>> -> memref<32x256xf32, #tpu.memory_space<hbm>>
    %dma_wait3A_700 = arith.constant 0 : i32
    %dma_wait3A_701 = arith.constant 0 : i32
    %dma_wait3A_702 = tpu.memref_slice %arg6[%dma_wait3A_691, %dma_wait3A_700, %dma_wait3A_701] : memref<15x32x256xf32, #tpu.memory_space<vmem>> -> memref<1x32x256xf32, #tpu.memory_space<vmem>>
    %dma_wait3A_703 = tpu.memref_squeeze %dma_wait3A_702 : memref<1x32x256xf32, #tpu.memory_space<vmem>> -> memref<32x256xf32, #tpu.memory_space<vmem>>
    tpu.wait_dma2 semaphore(%arg32 : memref<!tpu.dma_semaphore, #tpu.memory_space<semaphore_mem>>) src(%dma_wait3A_703 : memref<32x256xf32, #tpu.memory_space<vmem>>) dst(%dma_wait3A_699 : memref<32x256xf32, #tpu.memory_space<hbm>>)
    %dma_wait3A_704 = arith.constant 11 : i32
    %dma_wait3A_705 = arith.constant 0 : i32
    %dma_wait3A_706 = arith.constant 0 : i32
    %dma_wait3A_707 = tpu.memref_slice %arg6[%dma_wait3A_704, %dma_wait3A_705, %dma_wait3A_706] : memref<15x32x256xf32, #tpu.memory_space<vmem>> -> memref<1x32x256xf32, #tpu.memory_space<vmem>>
    %dma_wait3A_708 = tpu.memref_squeeze %dma_wait3A_707 : memref<1x32x256xf32, #tpu.memory_space<vmem>> -> memref<32x256xf32, #tpu.memory_space<vmem>>
    %dma_wait3A_709 = arith.constant 0 : i32
    %dma_wait3A_710 = tpu.memref_slice %arg4[%add3A_460, %dma_wait3A_709] : memref<16384x256xf32, #tpu.memory_space<hbm>> -> memref<32x256xf32, #tpu.memory_space<hbm>>
    %dma_wait3A_711 = arith.constant 0 : i32
    %dma_wait3A_712 = tpu.memref_slice %arg4[%add3A_460, %dma_wait3A_711] : memref<16384x256xf32, #tpu.memory_space<hbm>> -> memref<32x256xf32, #tpu.memory_space<hbm>>
    %dma_wait3A_713 = arith.constant 0 : i32
    %dma_wait3A_714 = arith.constant 0 : i32
    %dma_wait3A_715 = tpu.memref_slice %arg6[%dma_wait3A_704, %dma_wait3A_713, %dma_wait3A_714] : memref<15x32x256xf32, #tpu.memory_space<vmem>> -> memref<1x32x256xf32, #tpu.memory_space<vmem>>
    %dma_wait3A_716 = tpu.memref_squeeze %dma_wait3A_715 : memref<1x32x256xf32, #tpu.memory_space<vmem>> -> memref<32x256xf32, #tpu.memory_space<vmem>>
    tpu.wait_dma2 semaphore(%arg33 : memref<!tpu.dma_semaphore, #tpu.memory_space<semaphore_mem>>) src(%dma_wait3A_716 : memref<32x256xf32, #tpu.memory_space<vmem>>) dst(%dma_wait3A_712 : memref<32x256xf32, #tpu.memory_space<hbm>>)
    %dma_wait3A_717 = arith.constant 12 : i32
    %dma_wait3A_718 = arith.constant 0 : i32
    %dma_wait3A_719 = arith.constant 0 : i32
    %dma_wait3A_720 = tpu.memref_slice %arg6[%dma_wait3A_717, %dma_wait3A_718, %dma_wait3A_719] : memref<15x32x256xf32, #tpu.memory_space<vmem>> -> memref<1x32x256xf32, #tpu.memory_space<vmem>>
    %dma_wait3A_721 = tpu.memref_squeeze %dma_wait3A_720 : memref<1x32x256xf32, #tpu.memory_space<vmem>> -> memref<32x256xf32, #tpu.memory_space<vmem>>
    %dma_wait3A_722 = arith.constant 0 : i32
    %dma_wait3A_723 = tpu.memref_slice %arg4[%add3A_485, %dma_wait3A_722] : memref<16384x256xf32, #tpu.memory_space<hbm>> -> memref<32x256xf32, #tpu.memory_space<hbm>>
    %dma_wait3A_724 = arith.constant 0 : i32
    %dma_wait3A_725 = tpu.memref_slice %arg4[%add3A_485, %dma_wait3A_724] : memref<16384x256xf32, #tpu.memory_space<hbm>> -> memref<32x256xf32, #tpu.memory_space<hbm>>
    %dma_wait3A_726 = arith.constant 0 : i32
    %dma_wait3A_727 = arith.constant 0 : i32
    %dma_wait3A_728 = tpu.memref_slice %arg6[%dma_wait3A_717, %dma_wait3A_726, %dma_wait3A_727] : memref<15x32x256xf32, #tpu.memory_space<vmem>> -> memref<1x32x256xf32, #tpu.memory_space<vmem>>
    %dma_wait3A_729 = tpu.memref_squeeze %dma_wait3A_728 : memref<1x32x256xf32, #tpu.memory_space<vmem>> -> memref<32x256xf32, #tpu.memory_space<vmem>>
    tpu.wait_dma2 semaphore(%arg34 : memref<!tpu.dma_semaphore, #tpu.memory_space<semaphore_mem>>) src(%dma_wait3A_729 : memref<32x256xf32, #tpu.memory_space<vmem>>) dst(%dma_wait3A_725 : memref<32x256xf32, #tpu.memory_space<hbm>>)
    %dma_wait3A_730 = arith.constant 13 : i32
    %dma_wait3A_731 = arith.constant 0 : i32
    %dma_wait3A_732 = arith.constant 0 : i32
    %dma_wait3A_733 = tpu.memref_slice %arg6[%dma_wait3A_730, %dma_wait3A_731, %dma_wait3A_732] : memref<15x32x256xf32, #tpu.memory_space<vmem>> -> memref<1x32x256xf32, #tpu.memory_space<vmem>>
    %dma_wait3A_734 = tpu.memref_squeeze %dma_wait3A_733 : memref<1x32x256xf32, #tpu.memory_space<vmem>> -> memref<32x256xf32, #tpu.memory_space<vmem>>
    %dma_wait3A_735 = arith.constant 0 : i32
    %dma_wait3A_736 = tpu.memref_slice %arg4[%add3A_510, %dma_wait3A_735] : memref<16384x256xf32, #tpu.memory_space<hbm>> -> memref<32x256xf32, #tpu.memory_space<hbm>>
    %dma_wait3A_737 = arith.constant 0 : i32
    %dma_wait3A_738 = tpu.memref_slice %arg4[%add3A_510, %dma_wait3A_737] : memref<16384x256xf32, #tpu.memory_space<hbm>> -> memref<32x256xf32, #tpu.memory_space<hbm>>
    %dma_wait3A_739 = arith.constant 0 : i32
    %dma_wait3A_740 = arith.constant 0 : i32
    %dma_wait3A_741 = tpu.memref_slice %arg6[%dma_wait3A_730, %dma_wait3A_739, %dma_wait3A_740] : memref<15x32x256xf32, #tpu.memory_space<vmem>> -> memref<1x32x256xf32, #tpu.memory_space<vmem>>
    %dma_wait3A_742 = tpu.memref_squeeze %dma_wait3A_741 : memref<1x32x256xf32, #tpu.memory_space<vmem>> -> memref<32x256xf32, #tpu.memory_space<vmem>>
    tpu.wait_dma2 semaphore(%arg35 : memref<!tpu.dma_semaphore, #tpu.memory_space<semaphore_mem>>) src(%dma_wait3A_742 : memref<32x256xf32, #tpu.memory_space<vmem>>) dst(%dma_wait3A_738 : memref<32x256xf32, #tpu.memory_space<hbm>>)
    %dma_wait3A_743 = arith.constant 14 : i32
    %dma_wait3A_744 = arith.constant 0 : i32
    %dma_wait3A_745 = arith.constant 0 : i32
    %dma_wait3A_746 = tpu.memref_slice %arg6[%dma_wait3A_743, %dma_wait3A_744, %dma_wait3A_745] : memref<15x32x256xf32, #tpu.memory_space<vmem>> -> memref<1x32x256xf32, #tpu.memory_space<vmem>>
    %dma_wait3A_747 = tpu.memref_squeeze %dma_wait3A_746 : memref<1x32x256xf32, #tpu.memory_space<vmem>> -> memref<32x256xf32, #tpu.memory_space<vmem>>
    %dma_wait3A_748 = arith.constant 0 : i32
    %dma_wait3A_749 = tpu.memref_slice %arg4[%add3A_535, %dma_wait3A_748] : memref<16384x256xf32, #tpu.memory_space<hbm>> -> memref<32x256xf32, #tpu.memory_space<hbm>>
    %dma_wait3A_750 = arith.constant 0 : i32
    %dma_wait3A_751 = tpu.memref_slice %arg4[%add3A_535, %dma_wait3A_750] : memref<16384x256xf32, #tpu.memory_space<hbm>> -> memref<32x256xf32, #tpu.memory_space<hbm>>
    %dma_wait3A_752 = arith.constant 0 : i32
    %dma_wait3A_753 = arith.constant 0 : i32
    %dma_wait3A_754 = tpu.memref_slice %arg6[%dma_wait3A_743, %dma_wait3A_752, %dma_wait3A_753] : memref<15x32x256xf32, #tpu.memory_space<vmem>> -> memref<1x32x256xf32, #tpu.memory_space<vmem>>
    %dma_wait3A_755 = tpu.memref_squeeze %dma_wait3A_754 : memref<1x32x256xf32, #tpu.memory_space<vmem>> -> memref<32x256xf32, #tpu.memory_space<vmem>>
    tpu.wait_dma2 semaphore(%arg36 : memref<!tpu.dma_semaphore, #tpu.memory_space<semaphore_mem>>) src(%dma_wait3A_755 : memref<32x256xf32, #tpu.memory_space<vmem>>) dst(%dma_wait3A_751 : memref<32x256xf32, #tpu.memory_space<hbm>>)
    %dma_wait3A_756 = arith.constant 0 : i32
    %dma_wait3A_757 = arith.constant 0 : i32
    %dma_wait3A_758 = arith.constant 0 : i32
    %dma_wait3A_759 = tpu.memref_slice %arg6[%dma_wait3A_756, %dma_wait3A_757, %dma_wait3A_758] : memref<15x32x256xf32, #tpu.memory_space<vmem>> -> memref<1x32x256xf32, #tpu.memory_space<vmem>>
    %dma_wait3A_760 = tpu.memref_squeeze %dma_wait3A_759 : memref<1x32x256xf32, #tpu.memory_space<vmem>> -> memref<32x256xf32, #tpu.memory_space<vmem>>
    %dma_wait3A_761 = arith.constant 0 : i32
    %dma_wait3A_762 = tpu.memref_slice %arg4[%add3A_560, %dma_wait3A_761] : memref<16384x256xf32, #tpu.memory_space<hbm>> -> memref<32x256xf32, #tpu.memory_space<hbm>>
    %dma_wait3A_763 = arith.constant 0 : i32
    %dma_wait3A_764 = tpu.memref_slice %arg4[%add3A_560, %dma_wait3A_763] : memref<16384x256xf32, #tpu.memory_space<hbm>> -> memref<32x256xf32, #tpu.memory_space<hbm>>
    %dma_wait3A_765 = arith.constant 0 : i32
    %dma_wait3A_766 = arith.constant 0 : i32
    %dma_wait3A_767 = tpu.memref_slice %arg6[%dma_wait3A_756, %dma_wait3A_765, %dma_wait3A_766] : memref<15x32x256xf32, #tpu.memory_space<vmem>> -> memref<1x32x256xf32, #tpu.memory_space<vmem>>
    %dma_wait3A_768 = tpu.memref_squeeze %dma_wait3A_767 : memref<1x32x256xf32, #tpu.memory_space<vmem>> -> memref<32x256xf32, #tpu.memory_space<vmem>>
    tpu.wait_dma2 semaphore(%arg22 : memref<!tpu.dma_semaphore, #tpu.memory_space<semaphore_mem>>) src(%dma_wait3A_768 : memref<32x256xf32, #tpu.memory_space<vmem>>) dst(%dma_wait3A_764 : memref<32x256xf32, #tpu.memory_space<hbm>>)
    return
  }
}

</mosaic_0001>

<sc_bundles>
// kernel: kernel.3.cloned.1.call-start
scs
__scs_entry_jumppad:
0x0: {  	(pc) =	sbr.rel $0x88, $3  }
0x1: {  	(tag) =	ssettag $0x0;
	lr =	simm.s32 $0x1  }
0x2: {  	[smem:$0x3F9F] =	sst lr;
	_ =	strace $0xD0000000  }
0x3: {  	_ = 	snop  }
0x4: {  	_ = 	snop  }
0x5: {  	_ = 	snop  }
0x6: {  	_ = 	snop  }
0x7: {  	_ = 	snop  }
__scs_overlays_trampoline_lowered:
0x8: {  	[smem:$0x3FAE] =	sst s0  }
0x9: {  	[smem:$0x3FAF] =	sst s1  }
0xa: {  	[smem:$0x3FB0] =	sst s2  }
0xb: {  	[smem:$0x3FB1] =	sst s3  }
0xc: {  	[smem:$0x3FB2] =	sst s4  }
0xd: {  	[smem:$0x3FB3] =	sst s5  }
0xe: {  	[smem:$0x3FB4] =	sst s6  }
0xf: {  	[smem:$0x3FB5] =	sst s7  }
0x10: {  	[smem:$0x3FB6] =	sst s8  }
0x11: {  	[smem:$0x3FB7] =	sst s9;
	s0 =	simm.s32 @!p0 $0x0  }
0x12: {  	s1 =	sld [smem:$0x3F9D];
	s0 =	simm.s32 @p0 $0x1  }
0x13: {  	[smem:$0x3FB8] =	sst s0;
	s0 =	simm.s32 @!p1 $0x0  }
0x14: {  	s2 =	sld [smem:$0x3F9C];
	s0 =	simm.s32 @p1 $0x1  }
0x15: {  	[smem:$0x3FB9] =	sst s0;
	s0 =	simm.s32 @!p2 $0x0  }
0x16: {  	s3 =	sld [smem:$0x3FDB];
	s0 =	simm.s32 @p2 $0x1  }
0x17: {  	s4 =	simm.s32 $0x1BF5;
	[smem:$0x3FBB] =	sst s0  }
0x18: {  	s0 =	sld [smem:$0x3F9E];
	_ =	swait.ge [sflag:s4], $0x0  }
0x19: {  	s7 =	sld [smem:$0x3F9F]  }
0x1a: {  	s8 =	sadd.s32 $0xFFFFE003, lr  }
0x1b: {  	s9 =	sadd.s32 $0xFFFFFEF7, lr;
	s5 =	simm.s32 $0xFFFFFFFF;
	p2 =	slt.u32 s8, $0xFFFFF086  }
0x1c: {  	p1 =	slt.u32 s9, $0xF7A;
	s5 =	simm.s32 @!p2 $0x0  }
0x1d: {  	s5 =	simm.s32 @p1 $0x1;
	p0 =	seq.s32 s7, s2  }
0x1e: {  	s7 =	smul.u32 @!p0 $0xF7A, s2;
	p2 =	seq.s32 @!p0 s5, $0x0  }
0x1f: {  	s9 =	smul.u32 $0xF7A, s1;
	s8 =	simm.s32 @!p0 $0x1BF5;
	p2 =	por !p2, p0  }
0x20: {  	[sflag:s8] =	ssyncset.s32 @!p0 $0xFFFFF086;
	s6 =	sadd.s32 @!p0 s3, s7;
	s7 =	simm.s32 @!p0 $0x108  }
0x21: {  	s3 =	sadd.s32 s3, s9;
	s6 =	sadd.s32 @!p0 $0x88, s6;
	s7 =	simm.s32 @p2 $0x1082  }
0x22: {  	[simem:s7], [sflag:s8] =	dma.local @!p0 [hbm:s6], $0xF7A  }
0x23: {  	s9 =	sor.u32 $0xD0000000, s2;
	s6 =	simm.s32 $0x108;
	_ =	swait.ge @!p0 [sflag:s8], $0x0  }
0x24: {  	s3 =	sadd.s32 $0x88, s3;
	s6 =	simm.s32 @!p1 $0x1082;
	[sflag:s4] =	ssyncset.s32 $0xFFFFF086  }
0x25: {  	[simem:s6], [sflag:s4] =	dma.local [hbm:s3], $0xF7A  }
0x26: {  	[smem:$0x3F9F] =	sst s1;
	(tag) =	ssettag s2;
	_ =	strace s9  }
0x27: {  	s1 =	sld [smem:$0x3FAF]  }
0x28: {  	s2 =	sld [smem:$0x3FB0]  }
0x29: {  	s4 =	sld [smem:$0x3FB2]  }
0x2a: {  	p0 =	seq.s32 s5, $0x0;
	s5 =	sld [smem:$0x3FB3]  }
0x2b: {  	s6 =	sld [smem:$0x3FB4]  }
0x2c: {  	s7 =	sld [smem:$0x3FB5]  }
0x2d: {  	s3 =	simm.s32 $0x108;
	s8 =	sld [smem:$0x3FB6]  }
0x2e: {  	s3 =	simm.s32 @!p0 $0x1082;
	s9 =	sld [smem:$0x3FB7]  }
0x2f: {  	lr =	sadd.s32 s0, s3;
	s0 =	sld [smem:$0x3FAE]  }
0x30: {  	s3 =	sld [smem:$0x3FB1]  }
0x31: {  	[smem:$0x3FBA] =	sst s10  }
0x32: {  	s10 =	sld [smem:$0x3FB8];
	_ =	sdelay $0x3  }
0x33: {  	p0 =	seq.s32 s10, $0x1;
	s10 =	sld [smem:$0x3FBA];
	_ =	sdelay $0x3  }
0x34: {  	[smem:$0x3FBA] =	sst s10  }
0x35: {  	s10 =	sld [smem:$0x3FB9];
	_ =	sdelay $0x3  }
0x36: {  	p1 =	seq.s32 s10, $0x1;
	s10 =	sld [smem:$0x3FBA];
	_ =	sdelay $0x3  }
0x37: {  	[smem:$0x3FBA] =	sst s10  }
0x38: {  	s10 =	sld [smem:$0x3FBB]  }
0x39: {  	_ = 	snop;
	(pc) =	sbr.ind lr, $3  }
0x3a: {  	_ = 	snop  }
0x3b: {  	_ = 	snop  }
0x3c: {  	p2 =	seq.s32 s10, $0x1;
	s10 =	sld [smem:$0x3FBA]  }
0x3d: {  	_ =	shalt  }
0x3e: {  	_ =	shalt  }
0x3f: {  	_ =	shalt  }
0x40: {  	_ =	shalt  }
0x41: {  	_ =	shalt  }
0x42: {  	_ =	shalt  }
0x43: {  	_ =	shalt  }
0x44: {  	_ =	shalt  }
0x45: {  	_ =	shalt  }
0x46: {  	_ =	shalt  }
0x47: {  	_ =	shalt  }
0x48: {  	_ =	shalt  }
0x49: {  	_ =	shalt  }
0x4a: {  	_ =	shalt  }
0x4b: {  	_ =	shalt  }
0x4c: {  	_ =	shalt  }
0x4d: {  	_ =	shalt  }
0x4e: {  	_ =	shalt  }
0x4f: {  	_ =	shalt  }
0x50: {  	_ =	shalt  }
0x51: {  	_ =	shalt  }
0x52: {  	_ =	shalt  }
0x53: {  	_ =	shalt  }
0x54: {  	_ =	shalt  }
0x55: {  	_ =	shalt  }
0x56: {  	_ =	shalt  }
0x57: {  	_ =	shalt  }
0x58: {  	_ =	shalt  }
0x59: {  	_ =	shalt  }
0x5a: {  	_ =	shalt  }
0x5b: {  	_ =	shalt  }
0x5c: {  	_ =	shalt  }
0x5d: {  	_ =	shalt  }
0x5e: {  	_ =	shalt  }
0x5f: {  	_ =	shalt  }
0x60: {  	_ =	shalt  }
0x61: {  	_ =	shalt  }
0x62: {  	_ =	shalt  }
0x63: {  	_ =	shalt  }
0x64: {  	_ =	shalt  }
0x65: {  	_ =	shalt  }
0x66: {  	_ =	shalt  }
0x67: {  	_ =	shalt  }
0x68: {  	_ =	shalt  }
0x69: {  	_ =	shalt  }
0x6a: {  	_ =	shalt  }
0x6b: {  	_ =	shalt  }
0x6c: {  	_ =	shalt  }
0x6d: {  	_ =	shalt  }
0x6e: {  	_ =	shalt  }
0x6f: {  	_ =	shalt  }
0x70: {  	_ =	shalt  }
0x71: {  	_ =	shalt  }
0x72: {  	_ =	shalt  }
0x73: {  	_ =	shalt  }
0x74: {  	_ =	shalt  }
0x75: {  	_ =	shalt  }
0x76: {  	_ =	shalt  }
0x77: {  	_ =	shalt  }
0x78: {  	_ =	shalt  }
0x79: {  	_ =	shalt  }
0x7a: {  	_ =	shalt  }
0x7b: {  	_ =	shalt  }
0x7c: {  	_ =	shalt  }
0x7d: {  	_ =	shalt  }
0x7e: {  	_ =	shalt  }
0x7f: {  	_ =	shalt  }
0x80: {  	_ =	shalt  }
0x81: {  	_ =	shalt  }
0x82: {  	_ =	shalt  }
0x83: {  	_ =	shalt  }
0x84: {  	_ =	shalt  }
0x85: {  	_ =	shalt  }
0x86: {  	_ =	shalt  }
0x87: {  	_ =	shalt  }
.Lfunc_end0:
.L_simem_size_0:
called_computation_lowered:
.L_overlay_start_0:
0x88: {  	s2 =	sld [smem:$0x3FD9]  }
0x89: {  	s3 =	sld [smem:$0x3FFE];
	_ =	sdelay $0x1  }
0x8a: {  	s1 =	srdreg.scid  }
0x8b: {  	s0 =	sand.u32 $0x1, s1  }
0x8c: {  	s18 =	sshll.u32 s0, $0xA;
	s2 =	sadd.s32 s3, s2  }
0x8d: {  	s2 =	sadd.s32 s2, s18  }
0x8e: {  	[smem:$0x3FC6] =	sst s2  }
0x8f: {  	_ = 	snop  }
0x90: {  	s2 =	sld [smem:$0x3FC9]  }
0x91: {  	s19 =	sld [smem:$0x3FC8]  }
0x92: {  	s4 =	sld [smem:$0x3FD0];
	(tm) =	ssettm $0x1  }
0x93: {  	s5 =	sld [smem:$0x3FFB];
	_ =	sdelay $0x3  }
0x94: {  	_ =	strace s5  }
0x95: {  	s5 =	sld [smem:$0x3FFC];
	_ =	sdelay $0x3  }
0x96: {  	_ =	strace s5  }
0x97: {  	s5 =	sld [smem:$0x3FFD];
	_ =	sdelay $0x3  }
0x98: {  	_ =	strace s5  }
0x99: {  	_ =	strace $0x8FFFFFFF  }
0x9a: {  	s20 =	sld [smem:$0x3FDB];
	_ =	sdelay $0x1  }
0x9b: {  	s6 =	simm.s32 $_scs_section_size  }
0x9c: {  	s7 =	simm.s32 $_size__tile_overlayer_lowered;
	s8 =	simm.s32 $_tile_overlayer_lowered  }
0x9d: {  	s23 =	simm.s32 $0x1BFF;
	s22 =	sshll.u32 s8, $0x1;
	s5 =	sadd.s32 s6, s20  }
0x9e: {  	s9 =	simm.s32 $0x0;
	s21 =	sshll.u32 s7, $0x1;
	s7 =	sadd.s32 s22, s5  }
0x9f: {  	[timem:s9], [sflag:s23] =	dma.local [hbm:s7], s21  }
0xa0: {  	_ =	swait.ge [sflag:s23], s21  }
0xa1: {  	s6 =	ssub.s32 $0x0, s21;
	[sflag:s23] =	ssyncset.done $0x0  }
0xa2: {  	[sflag:s23] =	ssyncadd.s32 s6;
	_ =	sdelay $0x1  }
0xa3: {  	s24 =	simm.s32 $0x1B8B  }
0xa4: {  	_ =	swait.ge [sflag:s24], $0x1  }
0xa5: {  	[sflag:s24] =	ssyncset.done $0x0  }
0xa6: {  	s25 =	simm.s32 $0x1B8E;
	[sflag:s24] =	ssyncadd.s32 $0xFFFFFFFF  }
0xa7: {  	s26 =	simm.s32 $execute0_lowered;
	[smem:$0x3FD2] =	sst s25  }
0xa8: {  	s6 =	sshll.u32 s26, $0x1;
	_ =	strace $0x80000046;
	[dreg:$0x1] =	wrdreg $0xFFFFFFFF  }
0xa9: {  	s28 =	simm.s32 $_size_execute0_lowered;
	s5 =	sadd.s32 s5, s6;
	[dreg:$0x0] =	wrdreg $0x0  }
0xaa: {  	s6 =	sshll.u32 s28, $0x1;
	[dreg:$0x2] =	wrdreg s5  }
0xab: {  	[dreg:$0x3] =	wrdreg s6  }
0xac: {  	[dreg:$0x4] =	wrdreg $0xC0  }
0xad: {  	_ =	task [dreg:s9], $0x5FFFF  }
0xae: {  	[dreg:$0x1] =	wrdreg $0xFFFFFFFF  }
0xaf: {  	[dreg:$0x0] =	wrdreg $0x60  }
0xb0: {  	[dreg:$0x2] =	wrdreg s19  }
0xb1: {  	[dreg:$0x3] =	wrdreg s2  }
0xb2: {  	[dreg:$0x4] =	wrdreg s4  }
0xb3: {  	[dreg:$0x5] =	wrdreg $0x9  }
0xb4: {  	_ =	task.clear_ibuf [dreg:s9], $0x6FFFF;
	_ =	strace $0x90000046  }
0xb5: {  	s29 =	simm.s32 $0x9;
	_ =	strace $0x80000048  }
0xb6: {  	_ =	swait.ge [sflag:s29], $0x1  }
0xb7: {  	[sflag:s29] =	ssyncadd.s32 $0xFFFFFFFF  }
0xb8: {  	_ =	strace $0x90000048  }
0xb9: {  	_ =	sfence  }
0xba: {  	s30 =	sld [smem:$0x0];
	_ =	sdelay $0x2  }
0xbb: {  	s31 =	sshll.u32 s1, $0xD;
	s1 =	sshrl.u32 s1, $0x2  }
0xbc: {  	s3 =	sand.u32 $0x4000, s31;
	s1 =	sadd.s32 s1, s30  }
0xbd: {  	s0 =	sor.u32 s3, s0;
	s1 =	sshll.u32 s1, $0x11  }
0xbe: {  	s0 =	sor.u32 s1, s0  }
0xbf: {  	s0 =	sadd.s32 $0x8F2B, s0  }
0xc0: {  	[sflag:s0] =	ssyncadd.remote.s32 $0x1  }
0xc1: {  	_ =	sfence.sel $0xFFFF  }
0xc2: {  	[dreg:$0x0] =	wrdreg $0xFFFFFFFF;
	(pc) =	sbr.abs _section_cstart, $3  }
0xc3: {  	[dreg:$0x1] =	wrdreg $0xFFFFFFFF  }
0xc4: {  	_ =	task.clear_ibuf [dreg:s9], $0x2FFFF;
	_ =	strace $0x9FFFFFFF  }
0xc5: {  	(tm) =	ssettm $0x7FFFFFFF  }
tec
execute0_lowered:
.L_overlay_start_1:
0x0: {  	(tag) =	ssettag $0x1  }
0x1: {  	s1 =	rddreg [dreg:$0x0]  }
0x2: {  	s2 =	rddreg [dreg:$0x1];
	s3 =	stileid.u32  }
0x3: {  	s4 =	rddreg [dreg:$0x2];
	s5 =	sshll.u32 s3, $0xA;
	s3 =	simm.s32 $0x0  }
0x4: {  	s9 =	simm.s32 $0x2A00;
	[smem:$0x7FF] =	sst s3  }
0x5: {  	s10 =	simm.s32 $0x3200;
	_ =	strace $0x80000047;
	[dreg:$0x14] =	wrdreg s9  }
0x6: {  	s11 =	simm.s32 $0x3A00;
	[dreg:$0x15] =	wrdreg s10  }
0x7: {  	s12 =	simm.s32 $0x4A00;
	[dreg:$0x16] =	wrdreg s11  }
0x8: {  	s13 =	simm.s32 $0x5200;
	[dreg:$0x17] =	wrdreg s12  }
0x9: {  	s14 =	simm.s32 $0x5A00;
	[dreg:$0x18] =	wrdreg s13  }
0xa: {  	s15 =	simm.s32 $0x6A00;
	[dreg:$0x19] =	wrdreg s14  }
0xb: {  	s16 =	simm.s32 $0x7200;
	[dreg:$0x1a] =	wrdreg s15  }
0xc: {  	[dreg:$0x1b] =	wrdreg s16;
	s9 =	simm.s32 $0x11A00  }
0xd: {  	s10 =	simm.s32 $0x12A00;
	[smem:$0x7EB] =	sst s9  }
0xe: {  	s11 =	simm.s32 $0x13200;
	[smem:$0x7EC] =	sst s10  }
0xf: {  	s0 =	srdreg.scid;
	s12 =	simm.s32 $0x13A00;
	[smem:$0x7ED] =	sst s11  }
0x10: {  	s0 =	sand.u32 $0x1, s0;
	s13 =	simm.s32 $0x14A00;
	[smem:$0x7EE] =	sst s12  }
0x11: {  	s6 =	sshll.u32 s0, $0x9;
	s14 =	simm.s32 $0x15200;
	[smem:$0x7EF] =	sst s13  }
0x12: {  	s5 =	sor.u32 s6, s5;
	s15 =	simm.s32 $0x15A00;
	[smem:$0x7F0] =	sst s14  }
0x13: {  	s16 =	simm.s32 $0x16A00;
	s6 =	sshrl.u32 s5, $0x3;
	[smem:$0x7F1] =	sst s15  }
0x14: {  	s5 =	sshll.u32 s5, $0x5;
	[smem:$0x7F2] =	sst s16;
	s2 =	sadd.s32 s2, s6  }
0x15: {  	s4 =	sadd.s32 s4, s5;
	[dreg:$0x4] =	wrdreg s2  }
0x16: {  	s17 =	sadd.s32 $0x400, s4;
	[smem:$0x7DF] =	sst s4  }
0x17: {  	s18 =	sadd.s32 $0x800, s4;
	[dreg:$0x5] =	wrdreg s17  }
0x18: {  	s19 =	sadd.s32 $0xC00, s4;
	[dreg:$0x6] =	wrdreg s18  }
0x19: {  	s20 =	sadd.s32 $0x1000, s4;
	[dreg:$0x7] =	wrdreg s19  }
0x1a: {  	s21 =	sadd.s32 $0x1400, s4;
	[dreg:$0x8] =	wrdreg s20  }
0x1b: {  	s22 =	sadd.s32 $0x1800, s4;
	[dreg:$0x9] =	wrdreg s21  }
0x1c: {  	s23 =	sadd.s32 $0x1C00, s4;
	[dreg:$0xa] =	wrdreg s22  }
0x1d: {  	s24 =	sadd.s32 $0x2000, s4;
	[dreg:$0xb] =	wrdreg s23  }
0x1e: {  	s25 =	sadd.s32 $0x2400, s4;
	[dreg:$0xc] =	wrdreg s24  }
0x1f: {  	s26 =	sadd.s32 $0x2800, s4;
	[dreg:$0xd] =	wrdreg s25  }
0x20: {  	s31 =	sadd.s32 $0x2C00, s4;
	[dreg:$0xe] =	wrdreg s26  }
0x21: {  	s5 =	sadd.s32 $0x3000, s4;
	[dreg:$0xf] =	wrdreg s31  }
0x22: {  	s6 =	sadd.s32 $0x3400, s4;
	[dreg:$0x10] =	wrdreg s5  }
0x23: {  	s7 =	sadd.s32 $0x3800, s4;
	[dreg:$0x11] =	wrdreg s6  }
0x24: {  	s8 =	sadd.s32 $0x3C00, s4;
	[dreg:$0x12] =	wrdreg s7  }
0x25: {  	s4 =	simm.s32 $0xF200;
	[dreg:$0x13] =	wrdreg s8  }
0x26: {  	s17 =	simm.s32 $0x7A00;
	[smem:$0x7E7] =	sst s4  }
0x27: {  	s18 =	simm.s32 $0x8A00;
	[dreg:$0x1c] =	wrdreg s17  }
0x28: {  	s19 =	simm.s32 $0x9200;
	[dreg:$0x1d] =	wrdreg s18  }
0x29: {  	s20 =	simm.s32 $0x9A00;
	[dreg:$0x1e] =	wrdreg s19  }
0x2a: {  	s21 =	simm.s32 $0xAA00;
	[dreg:$0x1f] =	wrdreg s20  }
0x2b: {  	s22 =	simm.s32 $0xB200;
	[smem:$0x7E0] =	sst s21  }
0x2c: {  	s23 =	simm.s32 $0xBA00;
	[smem:$0x7E1] =	sst s22  }
0x2d: {  	s28 =	simm.s32 $0x1C;
	s24 =	simm.s32 $0xCA00;
	[smem:$0x7E2] =	sst s23  }
0x2e: {  	s29 =	simm.s32 $0x1D;
	s25 =	simm.s32 $0xD200;
	[smem:$0x7E3] =	sst s24  }
0x2f: {  	s30 =	simm.s32 $0x1E;
	s26 =	simm.s32 $0xDA00;
	[smem:$0x7E4] =	sst s25  }
0x30: {  	s0 =	ssub.s32 $0x2, s0;
	s31 =	simm.s32 $0xEA00;
	[smem:$0x7E5] =	sst s26  }
0x31: {  	s9 =	simm.s32 $0x1A00;
	s5 =	simm.s32 $0xFA00;
	[smem:$0x7E6] =	sst s31  }
0x32: {  	s10 =	simm.s32 $0x2200;
	s6 =	simm.s32 $0x10A00;
	[smem:$0x7E8] =	sst s5  }
0x33: {  	s11 =	simm.s32 $0x4200;
	s8 =	simm.s32 $0x11200;
	[smem:$0x7E9] =	sst s6  }
0x34: {  	s12 =	simm.s32 $0x6200;
	[smem:$0x7EA] =	sst s8;
	s17 =	simm.s32 $0x17200  }
0x35: {  	s13 =	simm.s32 $0x8200;
	s18 =	simm.s32 $0x17A00;
	[smem:$0x7F3] =	sst s17  }
0x36: {  	s14 =	simm.s32 $0xA200;
	s19 =	simm.s32 $0x18A00;
	[smem:$0x7F4] =	sst s18  }
0x37: {  	s15 =	simm.s32 $0xC200;
	s20 =	simm.s32 $0x19200;
	[smem:$0x7F5] =	sst s19  }
0x38: {  	s16 =	simm.s32 $0xE200;
	s21 =	simm.s32 $0x19A00;
	[smem:$0x7F6] =	sst s20  }
0x39: {  	s7 =	sshrl.u32 s0, $0x1;
	s22 =	simm.s32 $0x1AA00;
	[smem:$0x7F7] =	sst s21  }
0x3a: {  	s4 =	simm.s32 $0x1A;
	s23 =	simm.s32 $0x1B200;
	[smem:$0x7F8] =	sst s22  }
0x3b: {  	s0 =	ssub.s32 s0, s7;
	s24 =	simm.s32 $0x1BA00;
	[smem:$0x7F9] =	sst s23  }
0x3c: {  	s7 =	simm.s32 $0x200;
	s25 =	simm.s32 $0x1CA00;
	[smem:$0x7FA] =	sst s24  }
0x3d: {  	s26 =	simm.s32 $0x1D200;
	s31 =	simm.s32 $0x1DA00;
	[smem:$0x7FB] =	sst s25  }
0x3e: {  	s6 =	simm.s32 $0x1B;
	s8 =	simm.s32 $0x1200;
	[smem:$0x7FC] =	sst s26  }
0x3f: {  	s5 =	smax.u32 s0, $0x1;
	[smem:$0x7FD] =	sst s31;
	s25 =	simm.s32 $0x1  }
0x40: {  	v2 =	vlaneseq.u32;
	s26 =	simm.s32 $0x10;
	s24 =	simm.s32 $0x19;
	s17 =	simm.s32 $0x10200  }
0x41: {  	vm0 =	vmmov $0xffff;
	v1 =	vshrl.u32 v2, $0x3;
	s18 =	simm.s32 $0x12200;
	s19 =	simm.s32 $0x14200;
	s20 =	simm.s32 $0x16200  }
0x42: {  	v0 =	vand.u32 $0x7, v2;
	v2 =	vor.u32 $0x8, v2;
	v1 =	vmul.u32 $0x8, v1;
	s21 =	simm.s32 $0x18200;
	s22 =	simm.s32 $0x1A200;
	s23 =	simm.s32 $0x1C200  }
.LBB2_1:
0x43: {  	s31 =	rddreg [dreg:$0x4];
	s2 =	simm.s32 $0x1F  }
0x44: {  	[tilespmem:s3], [sflag:$0x1F] =	stream.linear.gather [hbm4b:s31+s3], $0x200, $0x38;
	[tilespmem:$0x1E200] =	vst v63  }
0x45: {  	_ =	swait.ge [sflag:s2], $0x200  }
0x46: {  	[sflag:s2] =	ssyncset.done $0x0  }
0x47: {  	[sflag:s2] =	ssyncadd.s32 $0xFFFFFE00  }
0x48: {  	v3 =	vld [tilespmem:$0x0];
	_ =	sdelay $0x4  }
0x49: {  	v4 =	vshll.u32 v3, $0x1  }
0x4a: {  	v3 =	vand.u32 $0x7, v3;
	v4 =	vand.u32 $0xFFFFFFF0, v4  }
0x4b: {  	v3 =	vor.u32 v3, v4  }
0x4c: {  	v4 =	vperm.xlane v3, v0;
	_ =	sdelay $0x1  }
0x4d: {  	v3 =	vperm.xlane v3, v2;
	v4 =	vadd.s32 v1, v4;
	_ =	sdelay $0x1  }
0x4e: {  	v3 =	vadd.s32 v1, v3;
	_ =	sdelay $0x2  }
0x4f: {  	[tilespmem:s7], [sflag:$0x1] =	stream.indirect_vreg.gather [hbm4b:s1+s3], $0x80, v4, vm0, $0xb8;
	[tilespmem:$0x1E200] =	vst v63  }
0x50: {  	s0 =	simm.s32 $0xA00  }
0x51: {  	[tilespmem:s0], [sflag:$0x1] =	stream.indirect_vreg.gather [hbm4b:s1+s3], $0x80, v3, vm0, $0xb8;
	[tilespmem:$0x1E200] =	vst v63  }
0x52: {  	v3 =	vld [tilespmem:$0x10];
	_ =	sdelay $0x4  }
0x53: {  	v33 =	vshll.u32 v3, $0x1  }
0x54: {  	v3 =	vand.u32 $0x7, v3;
	v4 =	vand.u32 $0xFFFFFFF0, v33  }
0x55: {  	v3 =	vor.u32 v3, v4  }
0x56: {  	v4 =	vperm.xlane v3, v0;
	_ =	sdelay $0x1  }
0x57: {  	v3 =	vperm.xlane v3, v2;
	v4 =	vadd.s32 v1, v4;
	_ =	sdelay $0x1  }
0x58: {  	v3 =	vadd.s32 v1, v3;
	_ =	sdelay $0x2  }
0x59: {  	[tilespmem:s8], [sflag:$0x1] =	stream.indirect_vreg.gather [hbm4b:s1+s3], $0x80, v4, vm0, $0xb8;
	[tilespmem:$0x1E200] =	vst v63  }
0x5a: {  	_ = 	snop  }
0x5b: {  	[tilespmem:s9], [sflag:$0x1] =	stream.indirect_vreg.gather [hbm4b:s1+s3], $0x80, v3, vm0, $0xb8;
	[tilespmem:$0x1E200] =	vst v63  }
0x5c: {  	v3 =	vld [tilespmem:$0x20];
	_ =	sdelay $0x4  }
0x5d: {  	v34 =	vshll.u32 v3, $0x1  }
0x5e: {  	v3 =	vand.u32 $0x7, v3;
	v4 =	vand.u32 $0xFFFFFFF0, v34  }
0x5f: {  	v3 =	vor.u32 v3, v4  }
0x60: {  	v4 =	vperm.xlane v3, v0;
	_ =	sdelay $0x1  }
0x61: {  	v3 =	vperm.xlane v3, v2;
	v4 =	vadd.s32 v1, v4;
	_ =	sdelay $0x1  }
0x62: {  	v3 =	vadd.s32 v1, v3;
	_ =	sdelay $0x2  }
0x63: {  	[tilespmem:s10], [sflag:$0x2] =	stream.indirect_vreg.gather [hbm4b:s1+s3], $0x80, v4, vm0, $0xb8;
	[tilespmem:$0x1E200] =	vst v63  }
0x64: {  	s2 =	rddreg [dreg:$0x14]  }
0x65: {  	[tilespmem:s2], [sflag:$0x2] =	stream.indirect_vreg.gather [hbm4b:s1+s3], $0x80, v3, vm0, $0xb8;
	[tilespmem:$0x1E200] =	vst v63  }
0x66: {  	v3 =	vld [tilespmem:$0x30];
	_ =	sdelay $0x4  }
0x67: {  	v35 =	vshll.u32 v3, $0x1  }
0x68: {  	v3 =	vand.u32 $0x7, v3;
	v4 =	vand.u32 $0xFFFFFFF0, v35  }
0x69: {  	v3 =	vor.u32 v3, v4  }
0x6a: {  	v4 =	vperm.xlane v3, v0;
	_ =	sdelay $0x1  }
0x6b: {  	v3 =	vperm.xlane v3, v2;
	v4 =	vadd.s32 v1, v4;
	_ =	sdelay $0x1  }
0x6c: {  	v3 =	vadd.s32 v1, v3;
	_ =	sdelay $0x1  }
0x6d: {  	s31 =	rddreg [dreg:$0x15]  }
0x6e: {  	[tilespmem:s31], [sflag:$0x2] =	stream.indirect_vreg.gather [hbm4b:s1+s3], $0x80, v4, vm0, $0xb8;
	[tilespmem:$0x1E200] =	vst v63  }
0x6f: {  	s2 =	rddreg [dreg:$0x16]  }
0x70: {  	[tilespmem:s2], [sflag:$0x2] =	stream.indirect_vreg.gather [hbm4b:s1+s3], $0x80, v3, vm0, $0xb8;
	[tilespmem:$0x1E200] =	vst v63  }
0x71: {  	v3 =	vld [tilespmem:$0x40];
	_ =	sdelay $0x4  }
0x72: {  	v36 =	vshll.u32 v3, $0x1  }
0x73: {  	v3 =	vand.u32 $0x7, v3;
	v4 =	vand.u32 $0xFFFFFFF0, v36  }
0x74: {  	v3 =	vor.u32 v3, v4  }
0x75: {  	v4 =	vperm.xlane v3, v0;
	_ =	sdelay $0x1  }
0x76: {  	v3 =	vperm.xlane v3, v2;
	v4 =	vadd.s32 v1, v4;
	_ =	sdelay $0x1  }
0x77: {  	v3 =	vadd.s32 v1, v3;
	_ =	sdelay $0x2  }
0x78: {  	[tilespmem:s11], [sflag:$0x3] =	stream.indirect_vreg.gather [hbm4b:s1+s3], $0x80, v4, vm0, $0xb8;
	[tilespmem:$0x1E200] =	vst v63  }
0x79: {  	s31 =	rddreg [dreg:$0x17]  }
0x7a: {  	[tilespmem:s31], [sflag:$0x3] =	stream.indirect_vreg.gather [hbm4b:s1+s3], $0x80, v3, vm0, $0xb8;
	[tilespmem:$0x1E200] =	vst v63  }
0x7b: {  	v3 =	vld [tilespmem:$0x50];
	_ =	sdelay $0x4  }
0x7c: {  	v37 =	vshll.u32 v3, $0x1  }
0x7d: {  	v3 =	vand.u32 $0x7, v3;
	v4 =	vand.u32 $0xFFFFFFF0, v37  }
0x7e: {  	v3 =	vor.u32 v3, v4  }
0x7f: {  	v4 =	vperm.xlane v3, v0;
	_ =	sdelay $0x1  }
0x80: {  	v3 =	vperm.xlane v3, v2;
	v4 =	vadd.s32 v1, v4;
	_ =	sdelay $0x1  }
0x81: {  	v3 =	vadd.s32 v1, v3;
	_ =	sdelay $0x1  }
0x82: {  	s2 =	rddreg [dreg:$0x18]  }
0x83: {  	[tilespmem:s2], [sflag:$0x3] =	stream.indirect_vreg.gather [hbm4b:s1+s3], $0x80, v4, vm0, $0xb8;
	[tilespmem:$0x1E200] =	vst v63  }
0x84: {  	s31 =	rddreg [dreg:$0x19]  }
0x85: {  	[tilespmem:s31], [sflag:$0x3] =	stream.indirect_vreg.gather [hbm4b:s1+s3], $0x80, v3, vm0, $0xb8;
	[tilespmem:$0x1E200] =	vst v63  }
0x86: {  	v3 =	vld [tilespmem:$0x60];
	_ =	sdelay $0x4  }
0x87: {  	v38 =	vshll.u32 v3, $0x1  }
0x88: {  	v3 =	vand.u32 $0x7, v3;
	v4 =	vand.u32 $0xFFFFFFF0, v38  }
0x89: {  	v3 =	vor.u32 v3, v4  }
0x8a: {  	v4 =	vperm.xlane v3, v0;
	_ =	sdelay $0x1  }
0x8b: {  	v3 =	vperm.xlane v3, v2;
	v4 =	vadd.s32 v1, v4;
	_ =	sdelay $0x1  }
0x8c: {  	v3 =	vadd.s32 v1, v3;
	_ =	sdelay $0x2  }
0x8d: {  	[tilespmem:s12], [sflag:$0x4] =	stream.indirect_vreg.gather [hbm4b:s1+s3], $0x80, v4, vm0, $0xb8;
	[tilespmem:$0x1E200] =	vst v63  }
0x8e: {  	s31 =	rddreg [dreg:$0x1a]  }
0x8f: {  	[tilespmem:s31], [sflag:$0x4] =	stream.indirect_vreg.gather [hbm4b:s1+s3], $0x80, v3, vm0, $0xb8;
	[tilespmem:$0x1E200] =	vst v63  }
0x90: {  	v3 =	vld [tilespmem:$0x70];
	_ =	sdelay $0x4  }
0x91: {  	v39 =	vshll.u32 v3, $0x1  }
0x92: {  	v3 =	vand.u32 $0x7, v3;
	v4 =	vand.u32 $0xFFFFFFF0, v39  }
0x93: {  	v3 =	vor.u32 v3, v4  }
0x94: {  	v4 =	vperm.xlane v3, v0;
	_ =	sdelay $0x1  }
0x95: {  	v3 =	vperm.xlane v3, v2;
	v4 =	vadd.s32 v1, v4;
	_ =	sdelay $0x1  }
0x96: {  	v3 =	vadd.s32 v1, v3;
	_ =	sdelay $0x1  }
0x97: {  	s2 =	rddreg [dreg:$0x1b]  }
0x98: {  	[tilespmem:s2], [sflag:$0x4] =	stream.indirect_vreg.gather [hbm4b:s1+s3], $0x80, v4, vm0, $0xb8;
	[tilespmem:$0x1E200] =	vst v63  }
0x99: {  	s31 =	rddreg [dreg:$0x1c]  }
0x9a: {  	[tilespmem:s31], [sflag:$0x4] =	stream.indirect_vreg.gather [hbm4b:s1+s3], $0x80, v3, vm0, $0xb8;
	[tilespmem:$0x1E200] =	vst v63  }
0x9b: {  	v3 =	vld [tilespmem:$0x80];
	_ =	sdelay $0x4  }
0x9c: {  	v40 =	vshll.u32 v3, $0x1  }
0x9d: {  	v3 =	vand.u32 $0x7, v3;
	v4 =	vand.u32 $0xFFFFFFF0, v40  }
0x9e: {  	v3 =	vor.u32 v3, v4  }
0x9f: {  	v4 =	vperm.xlane v3, v0;
	_ =	sdelay $0x1  }
0xa0: {  	v3 =	vperm.xlane v3, v2;
	v4 =	vadd.s32 v1, v4;
	_ =	sdelay $0x1  }
0xa1: {  	v3 =	vadd.s32 v1, v3;
	_ =	sdelay $0x2  }
0xa2: {  	[tilespmem:s13], [sflag:$0x5] =	stream.indirect_vreg.gather [hbm4b:s1+s3], $0x80, v4, vm0, $0xb8;
	[tilespmem:$0x1E200] =	vst v63  }
0xa3: {  	s31 =	rddreg [dreg:$0x1d]  }
0xa4: {  	[tilespmem:s31], [sflag:$0x5] =	stream.indirect_vreg.gather [hbm4b:s1+s3], $0x80, v3, vm0, $0xb8;
	[tilespmem:$0x1E200] =	vst v63  }
0xa5: {  	v3 =	vld [tilespmem:$0x90];
	_ =	sdelay $0x4  }
0xa6: {  	v41 =	vshll.u32 v3, $0x1  }
0xa7: {  	v3 =	vand.u32 $0x7, v3;
	v4 =	vand.u32 $0xFFFFFFF0, v41  }
0xa8: {  	v3 =	vor.u32 v3, v4  }
0xa9: {  	v4 =	vperm.xlane v3, v0;
	_ =	sdelay $0x1  }
0xaa: {  	v3 =	vperm.xlane v3, v2;
	v4 =	vadd.s32 v1, v4;
	_ =	sdelay $0x1  }
0xab: {  	v3 =	vadd.s32 v1, v3;
	_ =	sdelay $0x1  }
0xac: {  	s2 =	rddreg [dreg:$0x1e]  }
0xad: {  	[tilespmem:s2], [sflag:$0x5] =	stream.indirect_vreg.gather [hbm4b:s1+s3], $0x80, v4, vm0, $0xb8;
	[tilespmem:$0x1E200] =	vst v63  }
0xae: {  	s31 =	rddreg [dreg:$0x1f]  }
0xaf: {  	[tilespmem:s31], [sflag:$0x5] =	stream.indirect_vreg.gather [hbm4b:s1+s3], $0x80, v3, vm0, $0xb8;
	[tilespmem:$0x1E200] =	vst v63  }
0xb0: {  	v3 =	vld [tilespmem:$0xA0];
	_ =	sdelay $0x4  }
0xb1: {  	v42 =	vshll.u32 v3, $0x1  }
0xb2: {  	v3 =	vand.u32 $0x7, v3;
	v4 =	vand.u32 $0xFFFFFFF0, v42  }
0xb3: {  	v3 =	vor.u32 v3, v4  }
0xb4: {  	v4 =	vperm.xlane v3, v0;
	_ =	sdelay $0x1  }
0xb5: {  	v3 =	vperm.xlane v3, v2;
	v4 =	vadd.s32 v1, v4;
	_ =	sdelay $0x1  }
0xb6: {  	v3 =	vadd.s32 v1, v3;
	_ =	sdelay $0x1  }
0xb7: {  	s31 =	sld [smem:$0x7E0]  }
0xb8: {  	[tilespmem:s14], [sflag:$0x6] =	stream.indirect_vreg.gather [hbm4b:s1+s3], $0x80, v4, vm0, $0xb8;
	[tilespmem:$0x1E200] =	vst v63  }
0xb9: {  	_ = 	snop  }
0xba: {  	[tilespmem:s31], [sflag:$0x6] =	stream.indirect_vreg.gather [hbm4b:s1+s3], $0x80, v3, vm0, $0xb8;
	[tilespmem:$0x1E200] =	vst v63  }
0xbb: {  	v3 =	vld [tilespmem:$0xB0];
	_ =	sdelay $0x4  }
0xbc: {  	v43 =	vshll.u32 v3, $0x1  }
0xbd: {  	v3 =	vand.u32 $0x7, v3;
	v4 =	vand.u32 $0xFFFFFFF0, v43  }
0xbe: {  	v3 =	vor.u32 v3, v4  }
0xbf: {  	v4 =	vperm.xlane v3, v0;
	_ =	sdelay $0x1  }
0xc0: {  	v3 =	vperm.xlane v3, v2;
	v4 =	vadd.s32 v1, v4;
	_ =	sdelay $0x1  }
0xc1: {  	s2 =	sld [smem:$0x7E1];
	v3 =	vadd.s32 v1, v3;
	_ =	sdelay $0x1  }
0xc2: {  	s31 =	sld [smem:$0x7E2]  }
0xc3: {  	[tilespmem:s2], [sflag:$0x6] =	stream.indirect_vreg.gather [hbm4b:s1+s3], $0x80, v4, vm0, $0xb8;
	[tilespmem:$0x1E200] =	vst v63  }
0xc4: {  	_ = 	snop  }
0xc5: {  	[tilespmem:s31], [sflag:$0x6] =	stream.indirect_vreg.gather [hbm4b:s1+s3], $0x80, v3, vm0, $0xb8;
	[tilespmem:$0x1E200] =	vst v63  }
0xc6: {  	v3 =	vld [tilespmem:$0xC0];
	_ =	sdelay $0x4  }
0xc7: {  	v44 =	vshll.u32 v3, $0x1  }
0xc8: {  	v3 =	vand.u32 $0x7, v3;
	v4 =	vand.u32 $0xFFFFFFF0, v44  }
0xc9: {  	v3 =	vor.u32 v3, v4  }
0xca: {  	v4 =	vperm.xlane v3, v0;
	_ =	sdelay $0x1  }
0xcb: {  	v3 =	vperm.xlane v3, v2;
	v4 =	vadd.s32 v1, v4;
	_ =	sdelay $0x1  }
0xcc: {  	v3 =	vadd.s32 v1, v3;
	_ =	sdelay $0x1  }
0xcd: {  	s31 =	sld [smem:$0x7E3]  }
0xce: {  	[tilespmem:s15], [sflag:$0x7] =	stream.indirect_vreg.gather [hbm4b:s1+s3], $0x80, v4, vm0, $0xb8;
	[tilespmem:$0x1E200] =	vst v63  }
0xcf: {  	_ = 	snop  }
0xd0: {  	[tilespmem:s31], [sflag:$0x7] =	stream.indirect_vreg.gather [hbm4b:s1+s3], $0x80, v3, vm0, $0xb8;
	[tilespmem:$0x1E200] =	vst v63  }
0xd1: {  	v3 =	vld [tilespmem:$0xD0];
	_ =	sdelay $0x4  }
0xd2: {  	v45 =	vshll.u32 v3, $0x1  }
0xd3: {  	v3 =	vand.u32 $0x7, v3;
	v4 =	vand.u32 $0xFFFFFFF0, v45  }
0xd4: {  	v3 =	vor.u32 v3, v4  }
0xd5: {  	v4 =	vperm.xlane v3, v0;
	_ =	sdelay $0x1  }
0xd6: {  	v3 =	vperm.xlane v3, v2;
	v4 =	vadd.s32 v1, v4;
	_ =	sdelay $0x1  }
0xd7: {  	s2 =	sld [smem:$0x7E4];
	v3 =	vadd.s32 v1, v3;
	_ =	sdelay $0x1  }
0xd8: {  	s31 =	sld [smem:$0x7E5]  }
0xd9: {  	[tilespmem:s2], [sflag:$0x7] =	stream.indirect_vreg.gather [hbm4b:s1+s3], $0x80, v4, vm0, $0xb8;
	[tilespmem:$0x1E200] =	vst v63  }
0xda: {  	_ = 	snop  }
0xdb: {  	[tilespmem:s31], [sflag:$0x7] =	stream.indirect_vreg.gather [hbm4b:s1+s3], $0x80, v3, vm0, $0xb8;
	[tilespmem:$0x1E200] =	vst v63  }
0xdc: {  	v3 =	vld [tilespmem:$0xE0];
	_ =	sdelay $0x4  }
0xdd: {  	v46 =	vshll.u32 v3, $0x1  }
0xde: {  	v3 =	vand.u32 $0x7, v3;
	v4 =	vand.u32 $0xFFFFFFF0, v46  }
0xdf: {  	v3 =	vor.u32 v3, v4  }
0xe0: {  	v4 =	vperm.xlane v3, v0;
	_ =	sdelay $0x1  }
0xe1: {  	v3 =	vperm.xlane v3, v2;
	v4 =	vadd.s32 v1, v4;
	_ =	sdelay $0x1  }
0xe2: {  	v3 =	vadd.s32 v1, v3;
	_ =	sdelay $0x1  }
0xe3: {  	s31 =	sld [smem:$0x7E6]  }
0xe4: {  	[tilespmem:s16], [sflag:$0x8] =	stream.indirect_vreg.gather [hbm4b:s1+s3], $0x80, v4, vm0, $0xb8;
	[tilespmem:$0x1E200] =	vst v63  }
0xe5: {  	_ = 	snop  }
0xe6: {  	[tilespmem:s31], [sflag:$0x8] =	stream.indirect_vreg.gather [hbm4b:s1+s3], $0x80, v3, vm0, $0xb8;
	[tilespmem:$0x1E200] =	vst v63  }
0xe7: {  	v3 =	vld [tilespmem:$0xF0];
	_ =	sdelay $0x4  }
0xe8: {  	v47 =	vshll.u32 v3, $0x1  }
0xe9: {  	v3 =	vand.u32 $0x7, v3;
	v4 =	vand.u32 $0xFFFFFFF0, v47  }
0xea: {  	v3 =	vor.u32 v3, v4  }
0xeb: {  	v4 =	vperm.xlane v3, v0;
	_ =	sdelay $0x1  }
0xec: {  	v3 =	vperm.xlane v3, v2;
	v4 =	vadd.s32 v1, v4;
	_ =	sdelay $0x1  }
0xed: {  	s2 =	sld [smem:$0x7E7];
	v3 =	vadd.s32 v1, v3;
	_ =	sdelay $0x1  }
0xee: {  	s31 =	sld [smem:$0x7E8]  }
0xef: {  	[tilespmem:s2], [sflag:$0x8] =	stream.indirect_vreg.gather [hbm4b:s1+s3], $0x80, v4, vm0, $0xb8;
	[tilespmem:$0x1E200] =	vst v63  }
0xf0: {  	_ = 	snop  }
0xf1: {  	[tilespmem:s31], [sflag:$0x8] =	stream.indirect_vreg.gather [hbm4b:s1+s3], $0x80, v3, vm0, $0xb8;
	[tilespmem:$0x1E200] =	vst v63  }
0xf2: {  	v3 =	vld [tilespmem:$0x100];
	_ =	sdelay $0x4  }
0xf3: {  	v48 =	vshll.u32 v3, $0x1  }
0xf4: {  	v3 =	vand.u32 $0x7, v3;
	v4 =	vand.u32 $0xFFFFFFF0, v48  }
0xf5: {  	v3 =	vor.u32 v3, v4  }
0xf6: {  	v4 =	vperm.xlane v3, v0;
	_ =	sdelay $0x1  }
0xf7: {  	v3 =	vperm.xlane v3, v2;
	v4 =	vadd.s32 v1, v4;
	_ =	sdelay $0x1  }
0xf8: {  	v3 =	vadd.s32 v1, v3;
	_ =	sdelay $0x1  }
0xf9: {  	s31 =	sld [smem:$0x7E9]  }
0xfa: {  	[tilespmem:s17], [sflag:$0x9] =	stream.indirect_vreg.gather [hbm4b:s1+s3], $0x80, v4, vm0, $0xb8;
	[tilespmem:$0x1E200] =	vst v63  }
0xfb: {  	_ = 	snop  }
0xfc: {  	[tilespmem:s31], [sflag:$0x9] =	stream.indirect_vreg.gather [hbm4b:s1+s3], $0x80, v3, vm0, $0xb8;
	[tilespmem:$0x1E200] =	vst v63  }
0xfd: {  	v3 =	vld [tilespmem:$0x110];
	_ =	sdelay $0x4  }
0xfe: {  	v49 =	vshll.u32 v3, $0x1  }
0xff: {  	v3 =	vand.u32 $0x7, v3;
	v4 =	vand.u32 $0xFFFFFFF0, v49  }
0x100: {  	v3 =	vor.u32 v3, v4  }
0x101: {  	v4 =	vperm.xlane v3, v0;
	_ =	sdelay $0x1  }
0x102: {  	v3 =	vperm.xlane v3, v2;
	v4 =	vadd.s32 v1, v4;
	_ =	sdelay $0x1  }
0x103: {  	s2 =	sld [smem:$0x7EA];
	v3 =	vadd.s32 v1, v3;
	_ =	sdelay $0x1  }
0x104: {  	s31 =	sld [smem:$0x7EB]  }
0x105: {  	[tilespmem:s2], [sflag:$0x9] =	stream.indirect_vreg.gather [hbm4b:s1+s3], $0x80, v4, vm0, $0xb8;
	[tilespmem:$0x1E200] =	vst v63  }
0x106: {  	_ = 	snop  }
0x107: {  	[tilespmem:s31], [sflag:$0x9] =	stream.indirect_vreg.gather [hbm4b:s1+s3], $0x80, v3, vm0, $0xb8;
	[tilespmem:$0x1E200] =	vst v63  }
0x108: {  	v3 =	vld [tilespmem:$0x120];
	_ =	sdelay $0x4  }
0x109: {  	v50 =	vshll.u32 v3, $0x1  }
0x10a: {  	v3 =	vand.u32 $0x7, v3;
	v4 =	vand.u32 $0xFFFFFFF0, v50  }
0x10b: {  	v3 =	vor.u32 v3, v4  }
0x10c: {  	v4 =	vperm.xlane v3, v0;
	_ =	sdelay $0x1  }
0x10d: {  	v3 =	vperm.xlane v3, v2;
	v4 =	vadd.s32 v1, v4;
	_ =	sdelay $0x1  }
0x10e: {  	v3 =	vadd.s32 v1, v3;
	_ =	sdelay $0x1  }
0x10f: {  	s31 =	sld [smem:$0x7EC]  }
0x110: {  	[tilespmem:s18], [sflag:$0xA] =	stream.indirect_vreg.gather [hbm4b:s1+s3], $0x80, v4, vm0, $0xb8;
	[tilespmem:$0x1E200] =	vst v63  }
0x111: {  	_ = 	snop  }
0x112: {  	[tilespmem:s31], [sflag:$0xA] =	stream.indirect_vreg.gather [hbm4b:s1+s3], $0x80, v3, vm0, $0xb8;
	[tilespmem:$0x1E200] =	vst v63  }
0x113: {  	v3 =	vld [tilespmem:$0x130];
	_ =	sdelay $0x4  }
0x114: {  	v51 =	vshll.u32 v3, $0x1  }
0x115: {  	v3 =	vand.u32 $0x7, v3;
	v4 =	vand.u32 $0xFFFFFFF0, v51  }
0x116: {  	v3 =	vor.u32 v3, v4  }
0x117: {  	v4 =	vperm.xlane v3, v0;
	_ =	sdelay $0x1  }
0x118: {  	v3 =	vperm.xlane v3, v2;
	v4 =	vadd.s32 v1, v4;
	_ =	sdelay $0x1  }
0x119: {  	s2 =	sld [smem:$0x7ED];
	v3 =	vadd.s32 v1, v3;
	_ =	sdelay $0x1  }
0x11a: {  	s31 =	sld [smem:$0x7EE]  }
0x11b: {  	[tilespmem:s2], [sflag:$0xA] =	stream.indirect_vreg.gather [hbm4b:s1+s3], $0x80, v4, vm0, $0xb8;
	[tilespmem:$0x1E200] =	vst v63  }
0x11c: {  	_ = 	snop  }
0x11d: {  	[tilespmem:s31], [sflag:$0xA] =	stream.indirect_vreg.gather [hbm4b:s1+s3], $0x80, v3, vm0, $0xb8;
	[tilespmem:$0x1E200] =	vst v63  }
0x11e: {  	v3 =	vld [tilespmem:$0x140];
	_ =	sdelay $0x4  }
0x11f: {  	v52 =	vshll.u32 v3, $0x1  }
0x120: {  	v3 =	vand.u32 $0x7, v3;
	v4 =	vand.u32 $0xFFFFFFF0, v52  }
0x121: {  	v3 =	vor.u32 v3, v4  }
0x122: {  	v4 =	vperm.xlane v3, v0;
	_ =	sdelay $0x1  }
0x123: {  	v3 =	vperm.xlane v3, v2;
	v4 =	vadd.s32 v1, v4;
	_ =	sdelay $0x1  }
0x124: {  	v3 =	vadd.s32 v1, v3;
	_ =	sdelay $0x1  }
0x125: {  	s31 =	sld [smem:$0x7EF]  }
0x126: {  	[tilespmem:s19], [sflag:$0xB] =	stream.indirect_vreg.gather [hbm4b:s1+s3], $0x80, v4, vm0, $0xb8;
	[tilespmem:$0x1E200] =	vst v63  }
0x127: {  	_ = 	snop  }
0x128: {  	[tilespmem:s31], [sflag:$0xB] =	stream.indirect_vreg.gather [hbm4b:s1+s3], $0x80, v3, vm0, $0xb8;
	[tilespmem:$0x1E200] =	vst v63  }
0x129: {  	v3 =	vld [tilespmem:$0x150];
	_ =	sdelay $0x4  }
0x12a: {  	v53 =	vshll.u32 v3, $0x1  }
0x12b: {  	v3 =	vand.u32 $0x7, v3;
	v4 =	vand.u32 $0xFFFFFFF0, v53  }
0x12c: {  	v3 =	vor.u32 v3, v4  }
0x12d: {  	v4 =	vperm.xlane v3, v0;
	_ =	sdelay $0x1  }
0x12e: {  	v3 =	vperm.xlane v3, v2;
	v4 =	vadd.s32 v1, v4;
	_ =	sdelay $0x1  }
0x12f: {  	s2 =	sld [smem:$0x7F0];
	v3 =	vadd.s32 v1, v3;
	_ =	sdelay $0x1  }
0x130: {  	s31 =	sld [smem:$0x7F1]  }
0x131: {  	[tilespmem:s2], [sflag:$0xB] =	stream.indirect_vreg.gather [hbm4b:s1+s3], $0x80, v4, vm0, $0xb8;
	[tilespmem:$0x1E200] =	vst v63  }
0x132: {  	_ = 	snop  }
0x133: {  	[tilespmem:s31], [sflag:$0xB] =	stream.indirect_vreg.gather [hbm4b:s1+s3], $0x80, v3, vm0, $0xb8;
	[tilespmem:$0x1E200] =	vst v63  }
0x134: {  	v3 =	vld [tilespmem:$0x160];
	_ =	sdelay $0x4  }
0x135: {  	v54 =	vshll.u32 v3, $0x1  }
0x136: {  	v3 =	vand.u32 $0x7, v3;
	v4 =	vand.u32 $0xFFFFFFF0, v54  }
0x137: {  	v3 =	vor.u32 v3, v4  }
0x138: {  	v4 =	vperm.xlane v3, v0;
	_ =	sdelay $0x1  }
0x139: {  	v3 =	vperm.xlane v3, v2;
	v4 =	vadd.s32 v1, v4;
	_ =	sdelay $0x1  }
0x13a: {  	v3 =	vadd.s32 v1, v3;
	_ =	sdelay $0x1  }
0x13b: {  	s31 =	sld [smem:$0x7F2]  }
0x13c: {  	[tilespmem:s20], [sflag:$0xC] =	stream.indirect_vreg.gather [hbm4b:s1+s3], $0x80, v4, vm0, $0xb8;
	[tilespmem:$0x1E200] =	vst v63  }
0x13d: {  	_ = 	snop  }
0x13e: {  	[tilespmem:s31], [sflag:$0xC] =	stream.indirect_vreg.gather [hbm4b:s1+s3], $0x80, v3, vm0, $0xb8;
	[tilespmem:$0x1E200] =	vst v63  }
0x13f: {  	v3 =	vld [tilespmem:$0x170];
	_ =	sdelay $0x4  }
0x140: {  	v55 =	vshll.u32 v3, $0x1  }
0x141: {  	v3 =	vand.u32 $0x7, v3;
	v4 =	vand.u32 $0xFFFFFFF0, v55  }
0x142: {  	v3 =	vor.u32 v3, v4  }
0x143: {  	v4 =	vperm.xlane v3, v0;
	_ =	sdelay $0x1  }
0x144: {  	v3 =	vperm.xlane v3, v2;
	v4 =	vadd.s32 v1, v4;
	_ =	sdelay $0x1  }
0x145: {  	s2 =	sld [smem:$0x7F3];
	v3 =	vadd.s32 v1, v3;
	_ =	sdelay $0x1  }
0x146: {  	s31 =	sld [smem:$0x7F4]  }
0x147: {  	[tilespmem:s2], [sflag:$0xC] =	stream.indirect_vreg.gather [hbm4b:s1+s3], $0x80, v4, vm0, $0xb8;
	[tilespmem:$0x1E200] =	vst v63  }
0x148: {  	_ = 	snop  }
0x149: {  	[tilespmem:s31], [sflag:$0xC] =	stream.indirect_vreg.gather [hbm4b:s1+s3], $0x80, v3, vm0, $0xb8;
	[tilespmem:$0x1E200] =	vst v63  }
0x14a: {  	v3 =	vld [tilespmem:$0x180];
	_ =	sdelay $0x4  }
0x14b: {  	v56 =	vshll.u32 v3, $0x1  }
0x14c: {  	v3 =	vand.u32 $0x7, v3;
	v4 =	vand.u32 $0xFFFFFFF0, v56  }
0x14d: {  	v3 =	vor.u32 v3, v4  }
0x14e: {  	v4 =	vperm.xlane v3, v0;
	_ =	sdelay $0x1  }
0x14f: {  	v3 =	vperm.xlane v3, v2;
	v4 =	vadd.s32 v1, v4;
	_ =	sdelay $0x1  }
0x150: {  	v3 =	vadd.s32 v1, v3;
	_ =	sdelay $0x1  }
0x151: {  	s31 =	sld [smem:$0x7F5]  }
0x152: {  	[tilespmem:s21], [sflag:$0xD] =	stream.indirect_vreg.gather [hbm4b:s1+s3], $0x80, v4, vm0, $0xb8;
	[tilespmem:$0x1E200] =	vst v63  }
0x153: {  	_ = 	snop  }
0x154: {  	[tilespmem:s31], [sflag:$0xD] =	stream.indirect_vreg.gather [hbm4b:s1+s3], $0x80, v3, vm0, $0xb8;
	[tilespmem:$0x1E200] =	vst v63  }
0x155: {  	v3 =	vld [tilespmem:$0x190];
	_ =	sdelay $0x4  }
0x156: {  	v57 =	vshll.u32 v3, $0x1  }
0x157: {  	v3 =	vand.u32 $0x7, v3;
	v4 =	vand.u32 $0xFFFFFFF0, v57  }
0x158: {  	v3 =	vor.u32 v3, v4  }
0x159: {  	v4 =	vperm.xlane v3, v0;
	_ =	sdelay $0x1  }
0x15a: {  	v3 =	vperm.xlane v3, v2;
	v4 =	vadd.s32 v1, v4;
	_ =	sdelay $0x1  }
0x15b: {  	s2 =	sld [smem:$0x7F6];
	v3 =	vadd.s32 v1, v3;
	_ =	sdelay $0x1  }
0x15c: {  	s31 =	sld [smem:$0x7F7]  }
0x15d: {  	[tilespmem:s2], [sflag:$0xD] =	stream.indirect_vreg.gather [hbm4b:s1+s3], $0x80, v4, vm0, $0xb8;
	[tilespmem:$0x1E200] =	vst v63  }
0x15e: {  	_ = 	snop  }
0x15f: {  	[tilespmem:s31], [sflag:$0xD] =	stream.indirect_vreg.gather [hbm4b:s1+s3], $0x80, v3, vm0, $0xb8;
	[tilespmem:$0x1E200] =	vst v63  }
0x160: {  	v3 =	vld [tilespmem:$0x1A0];
	_ =	sdelay $0x4  }
0x161: {  	v58 =	vshll.u32 v3, $0x1  }
0x162: {  	v3 =	vand.u32 $0x7, v3;
	v4 =	vand.u32 $0xFFFFFFF0, v58  }
0x163: {  	v3 =	vor.u32 v3, v4  }
0x164: {  	v4 =	vperm.xlane v3, v0;
	_ =	sdelay $0x1  }
0x165: {  	v3 =	vperm.xlane v3, v2;
	v4 =	vadd.s32 v1, v4;
	_ =	sdelay $0x1  }
0x166: {  	v3 =	vadd.s32 v1, v3;
	_ =	sdelay $0x1  }
0x167: {  	s31 =	sld [smem:$0x7F8]  }
0x168: {  	[tilespmem:s22], [sflag:$0xE] =	stream.indirect_vreg.gather [hbm4b:s1+s3], $0x80, v4, vm0, $0xb8;
	[tilespmem:$0x1E200] =	vst v63  }
0x169: {  	_ = 	snop  }
0x16a: {  	[tilespmem:s31], [sflag:$0xE] =	stream.indirect_vreg.gather [hbm4b:s1+s3], $0x80, v3, vm0, $0xb8;
	[tilespmem:$0x1E200] =	vst v63  }
0x16b: {  	v3 =	vld [tilespmem:$0x1B0];
	_ =	sdelay $0x4  }
0x16c: {  	v59 =	vshll.u32 v3, $0x1  }
0x16d: {  	v3 =	vand.u32 $0x7, v3;
	v4 =	vand.u32 $0xFFFFFFF0, v59  }
0x16e: {  	v3 =	vor.u32 v3, v4  }
0x16f: {  	v4 =	vperm.xlane v3, v0;
	_ =	sdelay $0x1  }
0x170: {  	v3 =	vperm.xlane v3, v2;
	v4 =	vadd.s32 v1, v4;
	_ =	sdelay $0x1  }
0x171: {  	s2 =	sld [smem:$0x7F9];
	v3 =	vadd.s32 v1, v3;
	_ =	sdelay $0x1  }
0x172: {  	s31 =	sld [smem:$0x7FA]  }
0x173: {  	[tilespmem:s2], [sflag:$0xE] =	stream.indirect_vreg.gather [hbm4b:s1+s3], $0x80, v4, vm0, $0xb8;
	[tilespmem:$0x1E200] =	vst v63  }
0x174: {  	_ = 	snop  }
0x175: {  	[tilespmem:s31], [sflag:$0xE] =	stream.indirect_vreg.gather [hbm4b:s1+s3], $0x80, v3, vm0, $0xb8;
	[tilespmem:$0x1E200] =	vst v63  }
0x176: {  	v3 =	vld [tilespmem:$0x1C0];
	_ =	sdelay $0x4  }
0x177: {  	v60 =	vshll.u32 v3, $0x1  }
0x178: {  	v3 =	vand.u32 $0x7, v3;
	v4 =	vand.u32 $0xFFFFFFF0, v60  }
0x179: {  	v3 =	vor.u32 v3, v4  }
0x17a: {  	v4 =	vperm.xlane v3, v0;
	_ =	sdelay $0x1  }
0x17b: {  	v3 =	vperm.xlane v3, v2;
	v4 =	vadd.s32 v1, v4;
	_ =	sdelay $0x1  }
0x17c: {  	v3 =	vadd.s32 v1, v3;
	_ =	sdelay $0x1  }
0x17d: {  	s31 =	sld [smem:$0x7FB]  }
0x17e: {  	[tilespmem:s23], [sflag:$0xF] =	stream.indirect_vreg.gather [hbm4b:s1+s3], $0x80, v4, vm0, $0xb8;
	[tilespmem:$0x1E200] =	vst v63  }
0x17f: {  	_ = 	snop  }
0x180: {  	[tilespmem:s31], [sflag:$0xF] =	stream.indirect_vreg.gather [hbm4b:s1+s3], $0x80, v3, vm0, $0xb8;
	[tilespmem:$0x1E200] =	vst v63  }
0x181: {  	v3 =	vld [tilespmem:$0x1D0];
	_ =	sdelay $0x4  }
0x182: {  	v61 =	vshll.u32 v3, $0x1  }
0x183: {  	v3 =	vand.u32 $0x7, v3;
	v4 =	vand.u32 $0xFFFFFFF0, v61  }
0x184: {  	v3 =	vor.u32 v3, v4  }
0x185: {  	v4 =	vperm.xlane v3, v0;
	_ =	sdelay $0x1  }
0x186: {  	v3 =	vperm.xlane v3, v2;
	v4 =	vadd.s32 v1, v4;
	_ =	sdelay $0x1  }
0x187: {  	s2 =	sld [smem:$0x7FC];
	v3 =	vadd.s32 v1, v3;
	_ =	sdelay $0x1  }
0x188: {  	s31 =	sld [smem:$0x7FD]  }
0x189: {  	[tilespmem:s2], [sflag:$0xF] =	stream.indirect_vreg.gather [hbm4b:s1+s3], $0x80, v4, vm0, $0xb8;
	[tilespmem:$0x1E200] =	vst v63  }
0x18a: {  	_ = 	snop  }
0x18b: {  	[tilespmem:s31], [sflag:$0xF] =	stream.indirect_vreg.gather [hbm4b:s1+s3], $0x80, v3, vm0, $0xb8;
	[tilespmem:$0x1E200] =	vst v63  }
0x18c: {  	_ =	swait.ge [sflag:s25], $0x2000  }
0x18d: {  	s31 =	sld [smem:$0x7DF]  }
0x18e: {  	[sflag:s25] =	ssyncset.done $0x0  }
0x18f: {  	[sflag:s25] =	ssyncadd.s32 $0xFFFFE000  }
0x190: {  	[hbm4b:s31+s3] =	stream.linear.scatter [tilespmem:s7], [sflag:$0x10], $0x2000, $0x38;
	[tilespmem:$0x1E200] =	vst v63  }
0x191: {  	_ =	swait.ge [sflag:s26], $0x2000  }
0x192: {  	[sflag:s26] =	ssyncset.done $0x0  }
0x193: {  	[sflag:s26] =	ssyncadd.s32 $0xFFFFE000  }
0x194: {  	v3 =	vld [tilespmem:$0x1E0];
	_ =	sdelay $0x4  }
0x195: {  	v62 =	vshll.u32 v3, $0x1  }
0x196: {  	v3 =	vand.u32 $0x7, v3;
	v4 =	vand.u32 $0xFFFFFFF0, v62  }
0x197: {  	v3 =	vor.u32 v3, v4  }
0x198: {  	v4 =	vperm.xlane v3, v0;
	_ =	sdelay $0x1  }
0x199: {  	v3 =	vperm.xlane v3, v2;
	v4 =	vadd.s32 v1, v4;
	_ =	sdelay $0x1  }
0x19a: {  	v3 =	vadd.s32 v1, v3;
	_ =	sdelay $0x2  }
0x19b: {  	[tilespmem:s7], [sflag:$0x1] =	stream.indirect_vreg.gather [hbm4b:s1+s3], $0x80, v4, vm0, $0xb8;
	[tilespmem:$0x1E200] =	vst v63  }
0x19c: {  	_ = 	snop  }
0x19d: {  	[tilespmem:s0], [sflag:$0x1] =	stream.indirect_vreg.gather [hbm4b:s1+s3], $0x80, v3, vm0, $0xb8;
	[tilespmem:$0x1E200] =	vst v63  }
0x19e: {  	v3 =	vld [tilespmem:$0x1F0];
	_ =	sdelay $0x4  }
0x19f: {  	v63 =	vshll.u32 v3, $0x1  }
0x1a0: {  	v3 =	vand.u32 $0x7, v3;
	v4 =	vand.u32 $0xFFFFFFF0, v63  }
0x1a1: {  	v3 =	vor.u32 v3, v4  }
0x1a2: {  	v4 =	vperm.xlane v3, v0;
	_ =	sdelay $0x1  }
0x1a3: {  	v3 =	vperm.xlane v3, v2;
	v4 =	vadd.s32 v1, v4;
	_ =	sdelay $0x1  }
0x1a4: {  	v3 =	vadd.s32 v1, v3;
	_ =	sdelay $0x2  }
0x1a5: {  	[tilespmem:s8], [sflag:$0x1] =	stream.indirect_vreg.gather [hbm4b:s1+s3], $0x80, v4, vm0, $0xb8;
	[tilespmem:$0x1E200] =	vst v63  }
0x1a6: {  	s2 =	simm.s32 $0x2  }
0x1a7: {  	[tilespmem:s9], [sflag:$0x1] =	stream.indirect_vreg.gather [hbm4b:s1+s3], $0x80, v3, vm0, $0xb8;
	[tilespmem:$0x1E200] =	vst v63  }
0x1a8: {  	_ =	swait.ge [sflag:s2], $0x2000  }
0x1a9: {  	[sflag:s2] =	ssyncset.done $0x0  }
0x1aa: {  	s31 =	rddreg [dreg:$0x5];
	[sflag:s2] =	ssyncadd.s32 $0xFFFFE000;
	s2 =	simm.s32 $0x3  }
0x1ab: {  	[hbm4b:s31+s3] =	stream.linear.scatter [tilespmem:s10], [sflag:$0x11], $0x2000, $0x38;
	[tilespmem:$0x1E200] =	vst v63  }
0x1ac: {  	_ =	swait.ge [sflag:s2], $0x2000  }
0x1ad: {  	[sflag:s2] =	ssyncset.done $0x0  }
0x1ae: {  	s31 =	rddreg [dreg:$0x6];
	[sflag:s2] =	ssyncadd.s32 $0xFFFFE000;
	s2 =	simm.s32 $0x4  }
0x1af: {  	[hbm4b:s31+s3] =	stream.linear.scatter [tilespmem:s11], [sflag:$0x12], $0x2000, $0x38;
	[tilespmem:$0x1E200] =	vst v63  }
0x1b0: {  	_ =	swait.ge [sflag:s2], $0x2000  }
0x1b1: {  	[sflag:s2] =	ssyncset.done $0x0  }
0x1b2: {  	s31 =	rddreg [dreg:$0x7];
	[sflag:s2] =	ssyncadd.s32 $0xFFFFE000;
	s2 =	simm.s32 $0x5  }
0x1b3: {  	[hbm4b:s31+s3] =	stream.linear.scatter [tilespmem:s12], [sflag:$0x13], $0x2000, $0x38;
	[tilespmem:$0x1E200] =	vst v63  }
0x1b4: {  	_ =	swait.ge [sflag:s2], $0x2000  }
0x1b5: {  	[sflag:s2] =	ssyncset.done $0x0  }
0x1b6: {  	s31 =	rddreg [dreg:$0x8];
	[sflag:s2] =	ssyncadd.s32 $0xFFFFE000;
	s2 =	simm.s32 $0x6  }
0x1b7: {  	[hbm4b:s31+s3] =	stream.linear.scatter [tilespmem:s13], [sflag:$0x14], $0x2000, $0x38;
	[tilespmem:$0x1E200] =	vst v63  }
0x1b8: {  	_ =	swait.ge [sflag:s2], $0x2000  }
0x1b9: {  	[sflag:s2] =	ssyncset.done $0x0  }
0x1ba: {  	s31 =	rddreg [dreg:$0x9];
	[sflag:s2] =	ssyncadd.s32 $0xFFFFE000;
	s2 =	simm.s32 $0x7  }
0x1bb: {  	[hbm4b:s31+s3] =	stream.linear.scatter [tilespmem:s14], [sflag:$0x15], $0x2000, $0x38;
	[tilespmem:$0x1E200] =	vst v63  }
0x1bc: {  	_ =	swait.ge [sflag:s2], $0x2000  }
0x1bd: {  	[sflag:s2] =	ssyncset.done $0x0  }
0x1be: {  	s31 =	rddreg [dreg:$0xa];
	[sflag:s2] =	ssyncadd.s32 $0xFFFFE000;
	s2 =	simm.s32 $0x8  }
0x1bf: {  	[hbm4b:s31+s3] =	stream.linear.scatter [tilespmem:s15], [sflag:$0x16], $0x2000, $0x38;
	[tilespmem:$0x1E200] =	vst v63  }
0x1c0: {  	_ =	swait.ge [sflag:s2], $0x2000  }
0x1c1: {  	[sflag:s2] =	ssyncset.done $0x0  }
0x1c2: {  	s31 =	rddreg [dreg:$0xb];
	[sflag:s2] =	ssyncadd.s32 $0xFFFFE000;
	s2 =	simm.s32 $0x9  }
0x1c3: {  	[hbm4b:s31+s3] =	stream.linear.scatter [tilespmem:s16], [sflag:$0x17], $0x2000, $0x38;
	[tilespmem:$0x1E200] =	vst v63  }
0x1c4: {  	_ =	swait.ge [sflag:s2], $0x2000  }
0x1c5: {  	[sflag:s2] =	ssyncset.done $0x0  }
0x1c6: {  	s31 =	rddreg [dreg:$0xc];
	[sflag:s2] =	ssyncadd.s32 $0xFFFFE000;
	s2 =	simm.s32 $0xA  }
0x1c7: {  	[hbm4b:s31+s3] =	stream.linear.scatter [tilespmem:s17], [sflag:$0x18], $0x2000, $0x38;
	[tilespmem:$0x1E200] =	vst v63  }
0x1c8: {  	_ =	swait.ge [sflag:s2], $0x2000  }
0x1c9: {  	[sflag:s2] =	ssyncset.done $0x0  }
0x1ca: {  	s31 =	rddreg [dreg:$0xd];
	[sflag:s2] =	ssyncadd.s32 $0xFFFFE000;
	s2 =	simm.s32 $0xB  }
0x1cb: {  	[hbm4b:s31+s3] =	stream.linear.scatter [tilespmem:s18], [sflag:$0x19], $0x2000, $0x38;
	[tilespmem:$0x1E200] =	vst v63  }
0x1cc: {  	_ =	swait.ge [sflag:s2], $0x2000  }
0x1cd: {  	[sflag:s2] =	ssyncset.done $0x0  }
0x1ce: {  	s31 =	rddreg [dreg:$0xe];
	[sflag:s2] =	ssyncadd.s32 $0xFFFFE000;
	s2 =	simm.s32 $0xC  }
0x1cf: {  	[hbm4b:s31+s3] =	stream.linear.scatter [tilespmem:s19], [sflag:$0x1A], $0x2000, $0x38;
	[tilespmem:$0x1E200] =	vst v63  }
0x1d0: {  	_ =	swait.ge [sflag:s2], $0x2000  }
0x1d1: {  	[sflag:s2] =	ssyncset.done $0x0  }
0x1d2: {  	s31 =	rddreg [dreg:$0xf];
	[sflag:s2] =	ssyncadd.s32 $0xFFFFE000;
	s2 =	simm.s32 $0xD  }
0x1d3: {  	[hbm4b:s31+s3] =	stream.linear.scatter [tilespmem:s20], [sflag:$0x1B], $0x2000, $0x38;
	[tilespmem:$0x1E200] =	vst v63  }
0x1d4: {  	_ =	swait.ge [sflag:s2], $0x2000  }
0x1d5: {  	[sflag:s2] =	ssyncset.done $0x0  }
0x1d6: {  	s31 =	rddreg [dreg:$0x10];
	[sflag:s2] =	ssyncadd.s32 $0xFFFFE000;
	s2 =	simm.s32 $0xE  }
0x1d7: {  	[hbm4b:s31+s3] =	stream.linear.scatter [tilespmem:s21], [sflag:$0x1C], $0x2000, $0x38;
	[tilespmem:$0x1E200] =	vst v63  }
0x1d8: {  	_ =	swait.ge [sflag:s2], $0x2000  }
0x1d9: {  	[sflag:s2] =	ssyncset.done $0x0  }
0x1da: {  	s31 =	rddreg [dreg:$0x11];
	[sflag:s2] =	ssyncadd.s32 $0xFFFFE000;
	s2 =	simm.s32 $0xF  }
0x1db: {  	[hbm4b:s31+s3] =	stream.linear.scatter [tilespmem:s22], [sflag:$0x1D], $0x2000, $0x38;
	[tilespmem:$0x1E200] =	vst v63  }
0x1dc: {  	_ =	swait.ge [sflag:s2], $0x2000  }
0x1dd: {  	[sflag:s2] =	ssyncset.done $0x0  }
0x1de: {  	s31 =	rddreg [dreg:$0x12];
	[sflag:s2] =	ssyncadd.s32 $0xFFFFE000  }
0x1df: {  	[hbm4b:s31+s3] =	stream.linear.scatter [tilespmem:s23], [sflag:$0x1E], $0x2000, $0x38;
	[tilespmem:$0x1E200] =	vst v63  }
0x1e0: {  	_ =	swait.ge [sflag:s25], $0x2000  }
0x1e1: {  	[sflag:s25] =	ssyncset.done $0x0  }
0x1e2: {  	s2 =	simm.s32 $0x11;
	s0 =	rddreg [dreg:$0x13];
	[sflag:s25] =	ssyncadd.s32 $0xFFFFE000  }
0x1e3: {  	[hbm4b:s0+s3] =	stream.linear.scatter [tilespmem:s7], [sflag:$0x10], $0x2000, $0x38;
	[tilespmem:$0x1E200] =	vst v63  }
0x1e4: {  	_ =	swait.ge [sflag:s2], $0x2000  }
0x1e5: {  	[sflag:s2] =	ssyncset.done $0x0  }
0x1e6: {  	s31 =	simm.s32 $0x12;
	[sflag:s2] =	ssyncadd.s32 $0xFFFFE000  }
0x1e7: {  	_ =	swait.ge [sflag:s31], $0x2000  }
0x1e8: {  	[sflag:s31] =	ssyncset.done $0x0  }
0x1e9: {  	s2 =	simm.s32 $0x13;
	[sflag:s31] =	ssyncadd.s32 $0xFFFFE000  }
0x1ea: {  	_ =	swait.ge [sflag:s2], $0x2000  }
0x1eb: {  	[sflag:s2] =	ssyncset.done $0x0  }
0x1ec: {  	s31 =	simm.s32 $0x14;
	[sflag:s2] =	ssyncadd.s32 $0xFFFFE000  }
0x1ed: {  	_ =	swait.ge [sflag:s31], $0x2000  }
0x1ee: {  	[sflag:s31] =	ssyncset.done $0x0  }
0x1ef: {  	s2 =	simm.s32 $0x15;
	[sflag:s31] =	ssyncadd.s32 $0xFFFFE000  }
0x1f0: {  	_ =	swait.ge [sflag:s2], $0x2000  }
0x1f1: {  	[sflag:s2] =	ssyncset.done $0x0  }
0x1f2: {  	s31 =	simm.s32 $0x16;
	[sflag:s2] =	ssyncadd.s32 $0xFFFFE000  }
0x1f3: {  	_ =	swait.ge [sflag:s31], $0x2000  }
0x1f4: {  	[sflag:s31] =	ssyncset.done $0x0  }
0x1f5: {  	s2 =	simm.s32 $0x17;
	[sflag:s31] =	ssyncadd.s32 $0xFFFFE000  }
0x1f6: {  	_ =	swait.ge [sflag:s2], $0x2000  }
0x1f7: {  	[sflag:s2] =	ssyncset.done $0x0  }
0x1f8: {  	s31 =	simm.s32 $0x18;
	[sflag:s2] =	ssyncadd.s32 $0xFFFFE000  }
0x1f9: {  	_ =	swait.ge [sflag:s31], $0x2000  }
0x1fa: {  	[sflag:s31] =	ssyncset.done $0x0  }
0x1fb: {  	[sflag:s31] =	ssyncadd.s32 $0xFFFFE000  }
0x1fc: {  	_ =	swait.ge [sflag:s24], $0x2000  }
0x1fd: {  	[sflag:s24] =	ssyncset.done $0x0  }
0x1fe: {  	[sflag:s24] =	ssyncadd.s32 $0xFFFFE000  }
0x1ff: {  	_ =	swait.ge [sflag:s4], $0x2000  }
0x200: {  	[sflag:s4] =	ssyncset.done $0x0  }
0x201: {  	[sflag:s4] =	ssyncadd.s32 $0xFFFFE000  }
0x202: {  	_ =	swait.ge [sflag:s6], $0x2000  }
0x203: {  	[sflag:s6] =	ssyncset.done $0x0  }
0x204: {  	[sflag:s6] =	ssyncadd.s32 $0xFFFFE000  }
0x205: {  	_ =	swait.ge [sflag:s28], $0x2000  }
0x206: {  	[sflag:s28] =	ssyncset.done $0x0  }
0x207: {  	[sflag:s28] =	ssyncadd.s32 $0xFFFFE000  }
0x208: {  	_ =	swait.ge [sflag:s29], $0x2000  }
0x209: {  	[sflag:s29] =	ssyncset.done $0x0  }
0x20a: {  	[sflag:s29] =	ssyncadd.s32 $0xFFFFE000  }
0x20b: {  	p0 =	sne.s32 s5, $0x1;
	_ =	swait.ge [sflag:s30], $0x2000  }
.Ltmp0:
0x20c: {  	[sflag:s30] =	ssyncset.done $0x0;
	(pc) =	sbr.rel @p0 .LBB2_1-.Ltmp0, $4  }
0x20d: {  	[sflag:s30] =	ssyncadd.s32 $0xFFFFE000  }
0x20e: {  	_ =	swait.ge [sflag:s26], $0x2000  }
0x20f: {  	[sflag:s26] =	ssyncset.done $0x0  }
0x210: {  	s5 =	sadd.s32 $0xFFFFFFFF, s5;
	[sflag:s26] =	ssyncadd.s32 $0xFFFFE000  }
0x211: {  	_ =	sfence.sel $0x180000  }
0x212: {  	[bflag:$0x0] =	sbarrier.arrive $0xFFFF  }
0x213: {  	_ =	strace $0x90000047  }
0x214: {  	s0 =	stileid.u32;
	[bflag:$0x2] =	sbarrier.arrive $0xFFFF  }
0x215: {  	p0 =	sne.s32 s0, $0x0;
	s0 =	rddreg [dreg:$0x3]  }
0x216: {  	s0 =	sadd.s32 @!p0 $0x100000, s0  }
0x217: {  	[sflag:s0] =	ssyncadd.tile.s32 @!p0 $0x1;
	_ =	shalt  }
.Lfunc_end2:
_tile_overlayer_lowered:
.L_overlay_start_2:
0x218: {  	(tag) =	ssettag $0x2  }
0x219: {  	s0 =	rddreg [dreg:$0x0];
	s2 =	stileid.u32  }
0x21a: {  	s1 =	rddreg [dreg:$0x1];
	p0 =	sne.s32 s2, $0x0  }
0x21b: {  	s3 =	rddreg [dreg:$0x2];
	[bflag:$0x3] =	sbarrier.arrive $0xFFFF;
	s2 =	simm.s32 @!p0 $0x1C1F  }
0x21c: {  	[timem:s3], [sflag:s2] =	dma.local @!p0 [hbm:s0], s1  }
0x21d: {  	s0 =	simm.s32 @!p0 $0x1F  }
0x21e: {  	_ =	swait.ge @!p0 [sflag:s0], s1  }
0x21f: {  	s1 =	ssub.s32 @!p0 $0x0, s1;
	[sflag:s0] =	ssyncset.done @!p0 $0x0  }
0x220: {  	[sflag:s0] =	ssyncadd.s32 @!p0 s1  }
0x221: {  	[bflag:$0x3] =	sbarrier.arrive $0xFFFF  }
0x222: {  	_ =	shalt  }

</sc_bundles>
